<compile_context>
chip_gen: v7x
topology: tpu7x:2x2x1
jax: 0.10.2.dev20260603
libtpu: 0.0.44.dev20260713+nightly
codegen_flags: <defaults>
</compile_context>

<pallas_src>
import functools

import jax
import jax.numpy as jnp
from jax import lax
from jax.experimental import pallas as pl
from jax.experimental.pallas import tpu as pltpu
from jax.experimental.pallas import tpu_sc as plsc

_CH = 16
_NB = 4


def kernel(x, pe):
    b, s, d_x = x.shape
    size, dim = pe.shape
    d_o = d_x + dim
    rows = b * s
    x2 = x.reshape(rows, d_x)
    info = plsc.get_sparse_core_info()
    nw = info.num_cores * info.num_subcores
    rpw = rows // nw
    n_ch = rpw // _CH
    mesh = plsc.VectorSubcoreMesh(core_axis_name="c", subcore_axis_name="s")

    @functools.partial(
        pl.kernel,
        mesh=mesh,
        out_type=jax.ShapeDtypeStruct((rows, d_o), x.dtype),
        scratch_types=[pltpu.VMEM((_NB, _CH, d_o), x.dtype)]
        + [pltpu.SemaphoreType.DMA] * (2 * _NB),
    )
    def k(x_hbm, pe_hbm, out_hbm, obuf, *sems):
        in_sems, out_sems = sems[:_NB], sems[_NB:]
        wid = lax.axis_index("s") * info.num_cores + lax.axis_index("c")
        base = wid * rpw
        s_base = lax.rem(base, size)

        def start_in(ck, slot):
            r = base + ck * _CH
            sr = s_base + ck * _CH
            pltpu.async_copy(
                x_hbm.at[pl.ds(r, _CH), :],
                obuf.at[slot, :, pl.ds(0, d_x)],
                in_sems[slot],
            )
            pltpu.async_copy(
                pe_hbm.at[pl.ds(sr, _CH), :],
                obuf.at[slot, :, pl.ds(d_x, dim)],
                in_sems[slot],
            )

        def wait_in(slot):
            pltpu.make_async_copy(
                x_hbm.at[pl.ds(0, _CH), :],
                obuf.at[slot, :, pl.ds(0, d_x)],
                in_sems[slot],
            ).wait()
            pltpu.make_async_copy(
                pe_hbm.at[pl.ds(0, _CH), :],
                obuf.at[slot, :, pl.ds(d_x, dim)],
                in_sems[slot],
            ).wait()

        def start_out(ck, slot):
            r = base + ck * _CH
            pltpu.async_copy(
                obuf.at[slot], out_hbm.at[pl.ds(r, _CH), :], out_sems[slot]
            )

        def wait_out(slot):
            pltpu.make_async_copy(
                obuf.at[slot], out_hbm.at[pl.ds(0, _CH), :], out_sems[slot]
            ).wait()

        start_in(0, 0)
        start_in(1, 1)

        @pl.loop(0, n_ch, step=_NB)
        def _(c):
            for j in range(_NB):
                ck = c + j

                @pl.when(ck + 2 < n_ch)
                def _():
                    slot2 = (j + 2) % _NB

                    @pl.when(ck >= 2)
                    def _():
                        wait_out(slot2)

                    start_in(ck + 2, slot2)

                wait_in(j)
                start_out(ck, j)

        wait_out((n_ch - 2) % _NB)
        wait_out((n_ch - 1) % _NB)

    return k(x2, pe).reshape(b, s, d_o)

# --- scband reference (transcript-rebuilt; emitter-appended) ---
"""Pipeline reference for scband-position-embedding-86131274153988 (READ-ONLY COPY).

The authoritative reference and input builder live on the scoring server;
editing this copy changes nothing except your own understanding.
"""

import jax, jax.numpy as jnp
import numpy as np

SIZE = 4096
DIM = 128
BATCH = 4
D_X = 1024


def setup_inputs(seed: int = 0) -> dict:
    key = jax.random.key(seed)
    k_x, k_pe = jax.random.split(key)
    x = jax.random.normal(k_x, (BATCH, SIZE, D_X), dtype=jnp.float32)
    pe = jax.random.normal(k_pe, (SIZE, DIM), dtype=jnp.float32) * 0.02
    return {"x": x, "pe": pe}


def reference(x, pe):
    # pos_ids = arange(size) repeated over batch -> embedding lookup
    pos_ids = jnp.arange(SIZE, dtype=jnp.int64 if jax.config.jax_enable_x64 else jnp.int32)
    pos_ids_b = jnp.broadcast_to(pos_ids[None, :], (x.shape[0], SIZE))
    emb = jnp.take(pe, pos_ids_b, axis=0)  # [B, size, dim]
    return jnp.concatenate([x, emb], axis=-1)

if __name__ == "__main__":
    import jax
    _d = setup_inputs()
    print(jax.jit(kernel)(*tuple(_d.values())))

</pallas_src>

<mosaic_0001>
#map = affine_map<(d0, d1) -> (0, 0)>
module attributes {stable_mosaic.version = 14 : i64} {
  func.func @k(%arg0: i32, %arg1: i32, %arg2: memref<16384x1024xf32, #tpu.memory_space<hbm>>, %arg3: memref<4096x128xf32, #tpu.memory_space<hbm>>, %arg4: memref<16384x1152xf32, #tpu.memory_space<hbm>>, %arg5: memref<4x16x1152xf32, #tpu.memory_space<vmem>>, %arg6: memref<!tpu.dma_semaphore, #tpu.memory_space<semaphore_mem>>, %arg7: memref<!tpu.dma_semaphore, #tpu.memory_space<semaphore_mem>>, %arg8: memref<!tpu.dma_semaphore, #tpu.memory_space<semaphore_mem>>, %arg9: memref<!tpu.dma_semaphore, #tpu.memory_space<semaphore_mem>>, %arg10: memref<!tpu.dma_semaphore, #tpu.memory_space<semaphore_mem>>, %arg11: memref<!tpu.dma_semaphore, #tpu.memory_space<semaphore_mem>>, %arg12: memref<!tpu.dma_semaphore, #tpu.memory_space<semaphore_mem>>, %arg13: memref<!tpu.dma_semaphore, #tpu.memory_space<semaphore_mem>>) attributes {dimension_semantics = [#tpu.dimension_semantics<core_parallel>, #tpu.dimension_semantics<subcore_parallel>], iteration_bounds = array<i64: 2, 16>, scalar_prefetch = 0 : i64, scratch_operands = 9 : i64, tpu.core_type = #tpu.core_type<sc_vector_subcore>, window_params = [{transform_indices = #map}, {transform_indices = #map}, {transform_indices = #map}]} {
    %mul3A = arith.constant 2 : i32
    %mul3A_0 = arith.muli %arg1, %mul3A : i32
    %add3A = arith.addi %mul3A_0, %arg0 : i32
    %mul3A_1 = arith.constant 512 : i32
    %mul3A_2 = arith.muli %add3A, %mul3A_1 : i32
    %rem3A = arith.constant 4096 : i32
    %rem3A_3 = arith.remsi %mul3A_2, %rem3A : i32
    %add3A_4 = arith.constant 0 : i32
    %add3A_5 = arith.addi %mul3A_2, %add3A_4 : i32
    %add3A_6 = arith.constant 0 : i32
    %add3A_7 = arith.addi %rem3A_3, %add3A_6 : i32
    %dma_start3A = arith.constant 0 : i32
    %dma_start3A_8 = arith.constant 0 : i32
    %dma_start3A_9 = arith.constant 0 : i32
    %dma_start3A_10 = tpu.memref_slice %arg5[%dma_start3A, %dma_start3A_8, %dma_start3A_9] : memref<4x16x1152xf32, #tpu.memory_space<vmem>> -> memref<1x16x1024xf32, #tpu.memory_space<vmem>>
    %dma_start3A_11 = tpu.memref_squeeze %dma_start3A_10 : memref<1x16x1024xf32, #tpu.memory_space<vmem>> -> memref<16x1024xf32, #tpu.memory_space<vmem>>
    %dma_start3A_12 = arith.constant 0 : i32
    %dma_start3A_13 = tpu.memref_slice %arg2[%add3A_5, %dma_start3A_12] : memref<16384x1024xf32, #tpu.memory_space<hbm>> -> memref<16x1024xf32, #tpu.memory_space<hbm>>
    %dma_start3A_14 = arith.constant 0 : i32
    %dma_start3A_15 = arith.constant 0 : i32
    %dma_start3A_16 = tpu.memref_slice %arg5[%dma_start3A, %dma_start3A_14, %dma_start3A_15] : memref<4x16x1152xf32, #tpu.memory_space<vmem>> -> memref<1x16x1024xf32, #tpu.memory_space<vmem>>
    %dma_start3A_17 = tpu.memref_squeeze %dma_start3A_16 : memref<1x16x1024xf32, #tpu.memory_space<vmem>> -> memref<16x1024xf32, #tpu.memory_space<vmem>>
    %dma_start3A_18 = arith.constant 0 : i32
    %dma_start3A_19 = tpu.memref_slice %arg2[%add3A_5, %dma_start3A_18] : memref<16384x1024xf32, #tpu.memory_space<hbm>> -> memref<16x1024xf32, #tpu.memory_space<hbm>>
    tpu.enqueue_dma source(%dma_start3A_19 : memref<16x1024xf32, #tpu.memory_space<hbm>>) target(%dma_start3A_17 : memref<16x1024xf32, #tpu.memory_space<vmem>>) target_semaphore(%arg6 : memref<!tpu.dma_semaphore, #tpu.memory_space<semaphore_mem>>)
    %dma_start3A_20 = arith.constant 0 : i32
    %dma_start3A_21 = arith.constant 0 : i32
    %dma_start3A_22 = arith.constant 1024 : i32
    %dma_start3A_23 = tpu.memref_slice %arg5[%dma_start3A_20, %dma_start3A_21, %dma_start3A_22] : memref<4x16x1152xf32, #tpu.memory_space<vmem>> -> memref<1x16x128xf32, #tpu.memory_space<vmem>>
    %dma_start3A_24 = tpu.memref_squeeze %dma_start3A_23 : memref<1x16x128xf32, #tpu.memory_space<vmem>> -> memref<16x128xf32, #tpu.memory_space<vmem>>
    %dma_start3A_25 = arith.constant 0 : i32
    %dma_start3A_26 = tpu.memref_slice %arg3[%add3A_7, %dma_start3A_25] : memref<4096x128xf32, #tpu.memory_space<hbm>> -> memref<16x128xf32, #tpu.memory_space<hbm>>
    %dma_start3A_27 = arith.constant 0 : i32
    %dma_start3A_28 = arith.constant 1024 : i32
    %dma_start3A_29 = tpu.memref_slice %arg5[%dma_start3A_20, %dma_start3A_27, %dma_start3A_28] : memref<4x16x1152xf32, #tpu.memory_space<vmem>> -> memref<1x16x128xf32, #tpu.memory_space<vmem>>
    %dma_start3A_30 = tpu.memref_squeeze %dma_start3A_29 : memref<1x16x128xf32, #tpu.memory_space<vmem>> -> memref<16x128xf32, #tpu.memory_space<vmem>>
    %dma_start3A_31 = arith.constant 0 : i32
    %dma_start3A_32 = tpu.memref_slice %arg3[%add3A_7, %dma_start3A_31] : memref<4096x128xf32, #tpu.memory_space<hbm>> -> memref<16x128xf32, #tpu.memory_space<hbm>>
    tpu.enqueue_dma source(%dma_start3A_32 : memref<16x128xf32, #tpu.memory_space<hbm>>) target(%dma_start3A_30 : memref<16x128xf32, #tpu.memory_space<vmem>>) target_semaphore(%arg6 : memref<!tpu.dma_semaphore, #tpu.memory_space<semaphore_mem>>)
    %add3A_33 = arith.constant 16 : i32
    %add3A_34 = arith.addi %mul3A_2, %add3A_33 : i32
    %add3A_35 = arith.constant 16 : i32
    %add3A_36 = arith.addi %rem3A_3, %add3A_35 : i32
    %dma_start3A_37 = arith.constant 1 : i32
    %dma_start3A_38 = arith.constant 0 : i32
    %dma_start3A_39 = arith.constant 0 : i32
    %dma_start3A_40 = tpu.memref_slice %arg5[%dma_start3A_37, %dma_start3A_38, %dma_start3A_39] : memref<4x16x1152xf32, #tpu.memory_space<vmem>> -> memref<1x16x1024xf32, #tpu.memory_space<vmem>>
    %dma_start3A_41 = tpu.memref_squeeze %dma_start3A_40 : memref<1x16x1024xf32, #tpu.memory_space<vmem>> -> memref<16x1024xf32, #tpu.memory_space<vmem>>
    %dma_start3A_42 = arith.constant 0 : i32
    %dma_start3A_43 = tpu.memref_slice %arg2[%add3A_34, %dma_start3A_42] : memref<16384x1024xf32, #tpu.memory_space<hbm>> -> memref<16x1024xf32, #tpu.memory_space<hbm>>
    %dma_start3A_44 = arith.constant 0 : i32
    %dma_start3A_45 = arith.constant 0 : i32
    %dma_start3A_46 = tpu.memref_slice %arg5[%dma_start3A_37, %dma_start3A_44, %dma_start3A_45] : memref<4x16x1152xf32, #tpu.memory_space<vmem>> -> memref<1x16x1024xf32, #tpu.memory_space<vmem>>
    %dma_start3A_47 = tpu.memref_squeeze %dma_start3A_46 : memref<1x16x1024xf32, #tpu.memory_space<vmem>> -> memref<16x1024xf32, #tpu.memory_space<vmem>>
    %dma_start3A_48 = arith.constant 0 : i32
    %dma_start3A_49 = tpu.memref_slice %arg2[%add3A_34, %dma_start3A_48] : memref<16384x1024xf32, #tpu.memory_space<hbm>> -> memref<16x1024xf32, #tpu.memory_space<hbm>>
    tpu.enqueue_dma source(%dma_start3A_49 : memref<16x1024xf32, #tpu.memory_space<hbm>>) target(%dma_start3A_47 : memref<16x1024xf32, #tpu.memory_space<vmem>>) target_semaphore(%arg7 : memref<!tpu.dma_semaphore, #tpu.memory_space<semaphore_mem>>)
    %dma_start3A_50 = arith.constant 1 : i32
    %dma_start3A_51 = arith.constant 0 : i32
    %dma_start3A_52 = arith.constant 1024 : i32
    %dma_start3A_53 = tpu.memref_slice %arg5[%dma_start3A_50, %dma_start3A_51, %dma_start3A_52] : memref<4x16x1152xf32, #tpu.memory_space<vmem>> -> memref<1x16x128xf32, #tpu.memory_space<vmem>>
    %dma_start3A_54 = tpu.memref_squeeze %dma_start3A_53 : memref<1x16x128xf32, #tpu.memory_space<vmem>> -> memref<16x128xf32, #tpu.memory_space<vmem>>
    %dma_start3A_55 = arith.constant 0 : i32
    %dma_start3A_56 = tpu.memref_slice %arg3[%add3A_36, %dma_start3A_55] : memref<4096x128xf32, #tpu.memory_space<hbm>> -> memref<16x128xf32, #tpu.memory_space<hbm>>
    %dma_start3A_57 = arith.constant 0 : i32
    %dma_start3A_58 = arith.constant 1024 : i32
    %dma_start3A_59 = tpu.memref_slice %arg5[%dma_start3A_50, %dma_start3A_57, %dma_start3A_58] : memref<4x16x1152xf32, #tpu.memory_space<vmem>> -> memref<1x16x128xf32, #tpu.memory_space<vmem>>
    %dma_start3A_60 = tpu.memref_squeeze %dma_start3A_59 : memref<1x16x128xf32, #tpu.memory_space<vmem>> -> memref<16x128xf32, #tpu.memory_space<vmem>>
    %dma_start3A_61 = arith.constant 0 : i32
    %dma_start3A_62 = tpu.memref_slice %arg3[%add3A_36, %dma_start3A_61] : memref<4096x128xf32, #tpu.memory_space<hbm>> -> memref<16x128xf32, #tpu.memory_space<hbm>>
    tpu.enqueue_dma source(%dma_start3A_62 : memref<16x128xf32, #tpu.memory_space<hbm>>) target(%dma_start3A_60 : memref<16x128xf32, #tpu.memory_space<vmem>>) target_semaphore(%arg7 : memref<!tpu.dma_semaphore, #tpu.memory_space<semaphore_mem>>)
    %scan3A = arith.constant 0 : i32
    %scan3A_63 = arith.constant 8 : i32
    %scan3A_64 = arith.addi %scan3A, %scan3A_63 : i32
    %scan3A_65 = arith.constant 1 : i32
    scf.for %scan3A_96 = %scan3A to %scan3A_64 step %scan3A_65  : i32 {
      %mul3A_97 = arith.constant 4 : i32
      %mul3A_98 = arith.muli %scan3A_96, %mul3A_97 : i32
      %add3A_99 = arith.constant 0 : i32
      %add3A_100 = arith.addi %add3A_99, %mul3A_98 : i32
      %add3A_101 = arith.constant 0 : i32
      %add3A_102 = arith.addi %add3A_100, %add3A_101 : i32
      %add3A_103 = arith.constant 2 : i32
      %add3A_104 = arith.addi %add3A_102, %add3A_103 : i32
      %lt3A = arith.constant 32 : i32
      %lt3A_105 = arith.cmpi slt, %add3A_104, %lt3A : i32
      %convert_element_type3A = arith.extui %lt3A_105 : i1 to i32
      %cond3A = arith.constant 0 : i32
      %cond3A_106 = arith.cmpi ne, %convert_element_type3A, %cond3A : i32
      scf.if %cond3A_106 {
        %ge3A = arith.constant 2 : i32
        %ge3A_318 = arith.cmpi sge, %add3A_102, %ge3A : i32
        %convert_element_type3A_319 = arith.extui %ge3A_318 : i1 to i32
        %cond3A_320 = arith.constant 0 : i32
        %cond3A_321 = arith.cmpi ne, %convert_element_type3A_319, %cond3A_320 : i32
        scf.if %cond3A_321 {
          %dma_wait3A_356 = arith.constant 2 : i32
          %dma_wait3A_357 = arith.constant 0 : i32
          %dma_wait3A_358 = arith.constant 0 : i32
          %dma_wait3A_359 = tpu.memref_slice %arg5[%dma_wait3A_356, %dma_wait3A_357, %dma_wait3A_358] : memref<4x16x1152xf32, #tpu.memory_space<vmem>> -> memref<1x16x1152xf32, #tpu.memory_space<vmem>>
          %dma_wait3A_360 = tpu.memref_squeeze %dma_wait3A_359 : memref<1x16x1152xf32, #tpu.memory_space<vmem>> -> memref<16x1152xf32, #tpu.memory_space<vmem>>
          %dma_wait3A_361 = arith.constant 0 : i32
          %dma_wait3A_362 = arith.constant 0 : i32
          %dma_wait3A_363 = tpu.memref_slice %arg4[%dma_wait3A_361, %dma_wait3A_362] : memref<16384x1152xf32, #tpu.memory_space<hbm>> -> memref<16x1152xf32, #tpu.memory_space<hbm>>
          %dma_wait3A_364 = arith.constant 0 : i32
          %dma_wait3A_365 = arith.constant 0 : i32
          %dma_wait3A_366 = tpu.memref_slice %arg4[%dma_wait3A_364, %dma_wait3A_365] : memref<16384x1152xf32, #tpu.memory_space<hbm>> -> memref<16x1152xf32, #tpu.memory_space<hbm>>
          %dma_wait3A_367 = arith.constant 0 : i32
          %dma_wait3A_368 = arith.constant 0 : i32
          %dma_wait3A_369 = tpu.memref_slice %arg5[%dma_wait3A_356, %dma_wait3A_367, %dma_wait3A_368] : memref<4x16x1152xf32, #tpu.memory_space<vmem>> -> memref<1x16x1152xf32, #tpu.memory_space<vmem>>
          %dma_wait3A_370 = tpu.memref_squeeze %dma_wait3A_369 : memref<1x16x1152xf32, #tpu.memory_space<vmem>> -> memref<16x1152xf32, #tpu.memory_space<vmem>>
          tpu.wait_dma2 semaphore(%arg12 : memref<!tpu.dma_semaphore, #tpu.memory_space<semaphore_mem>>) src(%dma_wait3A_370 : memref<16x1152xf32, #tpu.memory_space<vmem>>) dst(%dma_wait3A_366 : memref<16x1152xf32, #tpu.memory_space<hbm>>)
        } else {
        }
        %add3A_322 = arith.constant 2 : i32
        %add3A_323 = arith.addi %add3A_102, %add3A_322 : i32
        %mul3A_324 = arith.constant 16 : i32
        %mul3A_325 = arith.muli %add3A_323, %mul3A_324 : i32
        %add3A_326 = arith.addi %mul3A_2, %mul3A_325 : i32
        %mul3A_327 = arith.constant 16 : i32
        %mul3A_328 = arith.muli %add3A_323, %mul3A_327 : i32
        %add3A_329 = arith.addi %rem3A_3, %mul3A_328 : i32
        %dma_start3A_330 = arith.constant 2 : i32
        %dma_start3A_331 = arith.constant 0 : i32
        %dma_start3A_332 = arith.constant 0 : i32
        %dma_start3A_333 = tpu.memref_slice %arg5[%dma_start3A_330, %dma_start3A_331, %dma_start3A_332] : memref<4x16x1152xf32, #tpu.memory_space<vmem>> -> memref<1x16x1024xf32, #tpu.memory_space<vmem>>
        %dma_start3A_334 = tpu.memref_squeeze %dma_start3A_333 : memref<1x16x1024xf32, #tpu.memory_space<vmem>> -> memref<16x1024xf32, #tpu.memory_space<vmem>>
        %dma_start3A_335 = arith.constant 0 : i32
        %dma_start3A_336 = tpu.memref_slice %arg2[%add3A_326, %dma_start3A_335] : memref<16384x1024xf32, #tpu.memory_space<hbm>> -> memref<16x1024xf32, #tpu.memory_space<hbm>>
        %dma_start3A_337 = arith.constant 0 : i32
        %dma_start3A_338 = arith.constant 0 : i32
        %dma_start3A_339 = tpu.memref_slice %arg5[%dma_start3A_330, %dma_start3A_337, %dma_start3A_338] : memref<4x16x1152xf32, #tpu.memory_space<vmem>> -> memref<1x16x1024xf32, #tpu.memory_space<vmem>>
        %dma_start3A_340 = tpu.memref_squeeze %dma_start3A_339 : memref<1x16x1024xf32, #tpu.memory_space<vmem>> -> memref<16x1024xf32, #tpu.memory_space<vmem>>
        %dma_start3A_341 = arith.constant 0 : i32
        %dma_start3A_342 = tpu.memref_slice %arg2[%add3A_326, %dma_start3A_341] : memref<16384x1024xf32, #tpu.memory_space<hbm>> -> memref<16x1024xf32, #tpu.memory_space<hbm>>
        tpu.enqueue_dma source(%dma_start3A_342 : memref<16x1024xf32, #tpu.memory_space<hbm>>) target(%dma_start3A_340 : memref<16x1024xf32, #tpu.memory_space<vmem>>) target_semaphore(%arg8 : memref<!tpu.dma_semaphore, #tpu.memory_space<semaphore_mem>>)
        %dma_start3A_343 = arith.constant 2 : i32
        %dma_start3A_344 = arith.constant 0 : i32
        %dma_start3A_345 = arith.constant 1024 : i32
        %dma_start3A_346 = tpu.memref_slice %arg5[%dma_start3A_343, %dma_start3A_344, %dma_start3A_345] : memref<4x16x1152xf32, #tpu.memory_space<vmem>> -> memref<1x16x128xf32, #tpu.memory_space<vmem>>
        %dma_start3A_347 = tpu.memref_squeeze %dma_start3A_346 : memref<1x16x128xf32, #tpu.memory_space<vmem>> -> memref<16x128xf32, #tpu.memory_space<vmem>>
        %dma_start3A_348 = arith.constant 0 : i32
        %dma_start3A_349 = tpu.memref_slice %arg3[%add3A_329, %dma_start3A_348] : memref<4096x128xf32, #tpu.memory_space<hbm>> -> memref<16x128xf32, #tpu.memory_space<hbm>>
        %dma_start3A_350 = arith.constant 0 : i32
        %dma_start3A_351 = arith.constant 1024 : i32
        %dma_start3A_352 = tpu.memref_slice %arg5[%dma_start3A_343, %dma_start3A_350, %dma_start3A_351] : memref<4x16x1152xf32, #tpu.memory_space<vmem>> -> memref<1x16x128xf32, #tpu.memory_space<vmem>>
        %dma_start3A_353 = tpu.memref_squeeze %dma_start3A_352 : memref<1x16x128xf32, #tpu.memory_space<vmem>> -> memref<16x128xf32, #tpu.memory_space<vmem>>
        %dma_start3A_354 = arith.constant 0 : i32
        %dma_start3A_355 = tpu.memref_slice %arg3[%add3A_329, %dma_start3A_354] : memref<4096x128xf32, #tpu.memory_space<hbm>> -> memref<16x128xf32, #tpu.memory_space<hbm>>
        tpu.enqueue_dma source(%dma_start3A_355 : memref<16x128xf32, #tpu.memory_space<hbm>>) target(%dma_start3A_353 : memref<16x128xf32, #tpu.memory_space<vmem>>) target_semaphore(%arg8 : memref<!tpu.dma_semaphore, #tpu.memory_space<semaphore_mem>>)
      } else {
      }
      %dma_wait3A_107 = arith.constant 0 : i32
      %dma_wait3A_108 = arith.constant 0 : i32
      %dma_wait3A_109 = arith.constant 0 : i32
      %dma_wait3A_110 = tpu.memref_slice %arg5[%dma_wait3A_107, %dma_wait3A_108, %dma_wait3A_109] : memref<4x16x1152xf32, #tpu.memory_space<vmem>> -> memref<1x16x1024xf32, #tpu.memory_space<vmem>>
      %dma_wait3A_111 = tpu.memref_squeeze %dma_wait3A_110 : memref<1x16x1024xf32, #tpu.memory_space<vmem>> -> memref<16x1024xf32, #tpu.memory_space<vmem>>
      %dma_wait3A_112 = arith.constant 0 : i32
      %dma_wait3A_113 = arith.constant 0 : i32
      %dma_wait3A_114 = tpu.memref_slice %arg2[%dma_wait3A_112, %dma_wait3A_113] : memref<16384x1024xf32, #tpu.memory_space<hbm>> -> memref<16x1024xf32, #tpu.memory_space<hbm>>
      %dma_wait3A_115 = arith.constant 0 : i32
      %dma_wait3A_116 = arith.constant 0 : i32
      %dma_wait3A_117 = tpu.memref_slice %arg5[%dma_wait3A_107, %dma_wait3A_115, %dma_wait3A_116] : memref<4x16x1152xf32, #tpu.memory_space<vmem>> -> memref<1x16x1024xf32, #tpu.memory_space<vmem>>
      %dma_wait3A_118 = tpu.memref_squeeze %dma_wait3A_117 : memref<1x16x1024xf32, #tpu.memory_space<vmem>> -> memref<16x1024xf32, #tpu.memory_space<vmem>>
      %dma_wait3A_119 = arith.constant 0 : i32
      %dma_wait3A_120 = arith.constant 0 : i32
      %dma_wait3A_121 = tpu.memref_slice %arg2[%dma_wait3A_119, %dma_wait3A_120] : memref<16384x1024xf32, #tpu.memory_space<hbm>> -> memref<16x1024xf32, #tpu.memory_space<hbm>>
      tpu.wait_dma2 semaphore(%arg6 : memref<!tpu.dma_semaphore, #tpu.memory_space<semaphore_mem>>) src(%dma_wait3A_121 : memref<16x1024xf32, #tpu.memory_space<hbm>>) dst(%dma_wait3A_118 : memref<16x1024xf32, #tpu.memory_space<vmem>>)
      %dma_wait3A_122 = arith.constant 0 : i32
      %dma_wait3A_123 = arith.constant 0 : i32
      %dma_wait3A_124 = arith.constant 1024 : i32
      %dma_wait3A_125 = tpu.memref_slice %arg5[%dma_wait3A_122, %dma_wait3A_123, %dma_wait3A_124] : memref<4x16x1152xf32, #tpu.memory_space<vmem>> -> memref<1x16x128xf32, #tpu.memory_space<vmem>>
      %dma_wait3A_126 = tpu.memref_squeeze %dma_wait3A_125 : memref<1x16x128xf32, #tpu.memory_space<vmem>> -> memref<16x128xf32, #tpu.memory_space<vmem>>
      %dma_wait3A_127 = arith.constant 0 : i32
      %dma_wait3A_128 = arith.constant 0 : i32
      %dma_wait3A_129 = tpu.memref_slice %arg3[%dma_wait3A_127, %dma_wait3A_128] : memref<4096x128xf32, #tpu.memory_space<hbm>> -> memref<16x128xf32, #tpu.memory_space<hbm>>
      %dma_wait3A_130 = arith.constant 0 : i32
      %dma_wait3A_131 = arith.constant 1024 : i32
      %dma_wait3A_132 = tpu.memref_slice %arg5[%dma_wait3A_122, %dma_wait3A_130, %dma_wait3A_131] : memref<4x16x1152xf32, #tpu.memory_space<vmem>> -> memref<1x16x128xf32, #tpu.memory_space<vmem>>
      %dma_wait3A_133 = tpu.memref_squeeze %dma_wait3A_132 : memref<1x16x128xf32, #tpu.memory_space<vmem>> -> memref<16x128xf32, #tpu.memory_space<vmem>>
      %dma_wait3A_134 = arith.constant 0 : i32
      %dma_wait3A_135 = arith.constant 0 : i32
      %dma_wait3A_136 = tpu.memref_slice %arg3[%dma_wait3A_134, %dma_wait3A_135] : memref<4096x128xf32, #tpu.memory_space<hbm>> -> memref<16x128xf32, #tpu.memory_space<hbm>>
      tpu.wait_dma2 semaphore(%arg6 : memref<!tpu.dma_semaphore, #tpu.memory_space<semaphore_mem>>) src(%dma_wait3A_136 : memref<16x128xf32, #tpu.memory_space<hbm>>) dst(%dma_wait3A_133 : memref<16x128xf32, #tpu.memory_space<vmem>>)
      %mul3A_137 = arith.constant 16 : i32
      %mul3A_138 = arith.muli %add3A_102, %mul3A_137 : i32
      %add3A_139 = arith.addi %mul3A_2, %mul3A_138 : i32
      %dma_start3A_140 = arith.constant 0 : i32
      %dma_start3A_141 = arith.constant 0 : i32
      %dma_start3A_142 = arith.constant 0 : i32
      %dma_start3A_143 = tpu.memref_slice %arg5[%dma_start3A_140, %dma_start3A_141, %dma_start3A_142] : memref<4x16x1152xf32, #tpu.memory_space<vmem>> -> memref<1x16x1152xf32, #tpu.memory_space<vmem>>
      %dma_start3A_144 = tpu.memref_squeeze %dma_start3A_143 : memref<1x16x1152xf32, #tpu.memory_space<vmem>> -> memref<16x1152xf32, #tpu.memory_space<vmem>>
      %dma_start3A_145 = arith.constant 0 : i32
      %dma_start3A_146 = tpu.memref_slice %arg4[%add3A_139, %dma_start3A_145] : memref<16384x1152xf32, #tpu.memory_space<hbm>> -> memref<16x1152xf32, #tpu.memory_space<hbm>>
      %dma_start3A_147 = arith.constant 0 : i32
      %dma_start3A_148 = tpu.memref_slice %arg4[%add3A_139, %dma_start3A_147] : memref<16384x1152xf32, #tpu.memory_space<hbm>> -> memref<16x1152xf32, #tpu.memory_space<hbm>>
      %dma_start3A_149 = arith.constant 0 : i32
      %dma_start3A_150 = arith.constant 0 : i32
      %dma_start3A_151 = tpu.memref_slice %arg5[%dma_start3A_140, %dma_start3A_149, %dma_start3A_150] : memref<4x16x1152xf32, #tpu.memory_space<vmem>> -> memref<1x16x1152xf32, #tpu.memory_space<vmem>>
      %dma_start3A_152 = tpu.memref_squeeze %dma_start3A_151 : memref<1x16x1152xf32, #tpu.memory_space<vmem>> -> memref<16x1152xf32, #tpu.memory_space<vmem>>
      tpu.enqueue_dma source(%dma_start3A_152 : memref<16x1152xf32, #tpu.memory_space<vmem>>) target(%dma_start3A_148 : memref<16x1152xf32, #tpu.memory_space<hbm>>) target_semaphore(%arg10 : memref<!tpu.dma_semaphore, #tpu.memory_space<semaphore_mem>>)
      %add3A_153 = arith.constant 1 : i32
      %add3A_154 = arith.addi %add3A_100, %add3A_153 : i32
      %add3A_155 = arith.constant 2 : i32
      %add3A_156 = arith.addi %add3A_154, %add3A_155 : i32
      %lt3A_157 = arith.constant 32 : i32
      %lt3A_158 = arith.cmpi slt, %add3A_156, %lt3A_157 : i32
      %convert_element_type3A_159 = arith.extui %lt3A_158 : i1 to i32
      %cond3A_160 = arith.constant 0 : i32
      %cond3A_161 = arith.cmpi ne, %convert_element_type3A_159, %cond3A_160 : i32
      scf.if %cond3A_161 {
        %ge3A = arith.constant 2 : i32
        %ge3A_318 = arith.cmpi sge, %add3A_154, %ge3A : i32
        %convert_element_type3A_319 = arith.extui %ge3A_318 : i1 to i32
        %cond3A_320 = arith.constant 0 : i32
        %cond3A_321 = arith.cmpi ne, %convert_element_type3A_319, %cond3A_320 : i32
        scf.if %cond3A_321 {
          %dma_wait3A_356 = arith.constant 3 : i32
          %dma_wait3A_357 = arith.constant 0 : i32
          %dma_wait3A_358 = arith.constant 0 : i32
          %dma_wait3A_359 = tpu.memref_slice %arg5[%dma_wait3A_356, %dma_wait3A_357, %dma_wait3A_358] : memref<4x16x1152xf32, #tpu.memory_space<vmem>> -> memref<1x16x1152xf32, #tpu.memory_space<vmem>>
          %dma_wait3A_360 = tpu.memref_squeeze %dma_wait3A_359 : memref<1x16x1152xf32, #tpu.memory_space<vmem>> -> memref<16x1152xf32, #tpu.memory_space<vmem>>
          %dma_wait3A_361 = arith.constant 0 : i32
          %dma_wait3A_362 = arith.constant 0 : i32
          %dma_wait3A_363 = tpu.memref_slice %arg4[%dma_wait3A_361, %dma_wait3A_362] : memref<16384x1152xf32, #tpu.memory_space<hbm>> -> memref<16x1152xf32, #tpu.memory_space<hbm>>
          %dma_wait3A_364 = arith.constant 0 : i32
          %dma_wait3A_365 = arith.constant 0 : i32
          %dma_wait3A_366 = tpu.memref_slice %arg4[%dma_wait3A_364, %dma_wait3A_365] : memref<16384x1152xf32, #tpu.memory_space<hbm>> -> memref<16x1152xf32, #tpu.memory_space<hbm>>
          %dma_wait3A_367 = arith.constant 0 : i32
          %dma_wait3A_368 = arith.constant 0 : i32
          %dma_wait3A_369 = tpu.memref_slice %arg5[%dma_wait3A_356, %dma_wait3A_367, %dma_wait3A_368] : memref<4x16x1152xf32, #tpu.memory_space<vmem>> -> memref<1x16x1152xf32, #tpu.memory_space<vmem>>
          %dma_wait3A_370 = tpu.memref_squeeze %dma_wait3A_369 : memref<1x16x1152xf32, #tpu.memory_space<vmem>> -> memref<16x1152xf32, #tpu.memory_space<vmem>>
          tpu.wait_dma2 semaphore(%arg13 : memref<!tpu.dma_semaphore, #tpu.memory_space<semaphore_mem>>) src(%dma_wait3A_370 : memref<16x1152xf32, #tpu.memory_space<vmem>>) dst(%dma_wait3A_366 : memref<16x1152xf32, #tpu.memory_space<hbm>>)
        } else {
        }
        %add3A_322 = arith.constant 2 : i32
        %add3A_323 = arith.addi %add3A_154, %add3A_322 : i32
        %mul3A_324 = arith.constant 16 : i32
        %mul3A_325 = arith.muli %add3A_323, %mul3A_324 : i32
        %add3A_326 = arith.addi %mul3A_2, %mul3A_325 : i32
        %mul3A_327 = arith.constant 16 : i32
        %mul3A_328 = arith.muli %add3A_323, %mul3A_327 : i32
        %add3A_329 = arith.addi %rem3A_3, %mul3A_328 : i32
        %dma_start3A_330 = arith.constant 3 : i32
        %dma_start3A_331 = arith.constant 0 : i32
        %dma_start3A_332 = arith.constant 0 : i32
        %dma_start3A_333 = tpu.memref_slice %arg5[%dma_start3A_330, %dma_start3A_331, %dma_start3A_332] : memref<4x16x1152xf32, #tpu.memory_space<vmem>> -> memref<1x16x1024xf32, #tpu.memory_space<vmem>>
        %dma_start3A_334 = tpu.memref_squeeze %dma_start3A_333 : memref<1x16x1024xf32, #tpu.memory_space<vmem>> -> memref<16x1024xf32, #tpu.memory_space<vmem>>
        %dma_start3A_335 = arith.constant 0 : i32
        %dma_start3A_336 = tpu.memref_slice %arg2[%add3A_326, %dma_start3A_335] : memref<16384x1024xf32, #tpu.memory_space<hbm>> -> memref<16x1024xf32, #tpu.memory_space<hbm>>
        %dma_start3A_337 = arith.constant 0 : i32
        %dma_start3A_338 = arith.constant 0 : i32
        %dma_start3A_339 = tpu.memref_slice %arg5[%dma_start3A_330, %dma_start3A_337, %dma_start3A_338] : memref<4x16x1152xf32, #tpu.memory_space<vmem>> -> memref<1x16x1024xf32, #tpu.memory_space<vmem>>
        %dma_start3A_340 = tpu.memref_squeeze %dma_start3A_339 : memref<1x16x1024xf32, #tpu.memory_space<vmem>> -> memref<16x1024xf32, #tpu.memory_space<vmem>>
        %dma_start3A_341 = arith.constant 0 : i32
        %dma_start3A_342 = tpu.memref_slice %arg2[%add3A_326, %dma_start3A_341] : memref<16384x1024xf32, #tpu.memory_space<hbm>> -> memref<16x1024xf32, #tpu.memory_space<hbm>>
        tpu.enqueue_dma source(%dma_start3A_342 : memref<16x1024xf32, #tpu.memory_space<hbm>>) target(%dma_start3A_340 : memref<16x1024xf32, #tpu.memory_space<vmem>>) target_semaphore(%arg9 : memref<!tpu.dma_semaphore, #tpu.memory_space<semaphore_mem>>)
        %dma_start3A_343 = arith.constant 3 : i32
        %dma_start3A_344 = arith.constant 0 : i32
        %dma_start3A_345 = arith.constant 1024 : i32
        %dma_start3A_346 = tpu.memref_slice %arg5[%dma_start3A_343, %dma_start3A_344, %dma_start3A_345] : memref<4x16x1152xf32, #tpu.memory_space<vmem>> -> memref<1x16x128xf32, #tpu.memory_space<vmem>>
        %dma_start3A_347 = tpu.memref_squeeze %dma_start3A_346 : memref<1x16x128xf32, #tpu.memory_space<vmem>> -> memref<16x128xf32, #tpu.memory_space<vmem>>
        %dma_start3A_348 = arith.constant 0 : i32
        %dma_start3A_349 = tpu.memref_slice %arg3[%add3A_329, %dma_start3A_348] : memref<4096x128xf32, #tpu.memory_space<hbm>> -> memref<16x128xf32, #tpu.memory_space<hbm>>
        %dma_start3A_350 = arith.constant 0 : i32
        %dma_start3A_351 = arith.constant 1024 : i32
        %dma_start3A_352 = tpu.memref_slice %arg5[%dma_start3A_343, %dma_start3A_350, %dma_start3A_351] : memref<4x16x1152xf32, #tpu.memory_space<vmem>> -> memref<1x16x128xf32, #tpu.memory_space<vmem>>
        %dma_start3A_353 = tpu.memref_squeeze %dma_start3A_352 : memref<1x16x128xf32, #tpu.memory_space<vmem>> -> memref<16x128xf32, #tpu.memory_space<vmem>>
        %dma_start3A_354 = arith.constant 0 : i32
        %dma_start3A_355 = tpu.memref_slice %arg3[%add3A_329, %dma_start3A_354] : memref<4096x128xf32, #tpu.memory_space<hbm>> -> memref<16x128xf32, #tpu.memory_space<hbm>>
        tpu.enqueue_dma source(%dma_start3A_355 : memref<16x128xf32, #tpu.memory_space<hbm>>) target(%dma_start3A_353 : memref<16x128xf32, #tpu.memory_space<vmem>>) target_semaphore(%arg9 : memref<!tpu.dma_semaphore, #tpu.memory_space<semaphore_mem>>)
      } else {
      }
      %dma_wait3A_162 = arith.constant 1 : i32
      %dma_wait3A_163 = arith.constant 0 : i32
      %dma_wait3A_164 = arith.constant 0 : i32
      %dma_wait3A_165 = tpu.memref_slice %arg5[%dma_wait3A_162, %dma_wait3A_163, %dma_wait3A_164] : memref<4x16x1152xf32, #tpu.memory_space<vmem>> -> memref<1x16x1024xf32, #tpu.memory_space<vmem>>
      %dma_wait3A_166 = tpu.memref_squeeze %dma_wait3A_165 : memref<1x16x1024xf32, #tpu.memory_space<vmem>> -> memref<16x1024xf32, #tpu.memory_space<vmem>>
      %dma_wait3A_167 = arith.constant 0 : i32
      %dma_wait3A_168 = arith.constant 0 : i32
      %dma_wait3A_169 = tpu.memref_slice %arg2[%dma_wait3A_167, %dma_wait3A_168] : memref<16384x1024xf32, #tpu.memory_space<hbm>> -> memref<16x1024xf32, #tpu.memory_space<hbm>>
      %dma_wait3A_170 = arith.constant 0 : i32
      %dma_wait3A_171 = arith.constant 0 : i32
      %dma_wait3A_172 = tpu.memref_slice %arg5[%dma_wait3A_162, %dma_wait3A_170, %dma_wait3A_171] : memref<4x16x1152xf32, #tpu.memory_space<vmem>> -> memref<1x16x1024xf32, #tpu.memory_space<vmem>>
      %dma_wait3A_173 = tpu.memref_squeeze %dma_wait3A_172 : memref<1x16x1024xf32, #tpu.memory_space<vmem>> -> memref<16x1024xf32, #tpu.memory_space<vmem>>
      %dma_wait3A_174 = arith.constant 0 : i32
      %dma_wait3A_175 = arith.constant 0 : i32
      %dma_wait3A_176 = tpu.memref_slice %arg2[%dma_wait3A_174, %dma_wait3A_175] : memref<16384x1024xf32, #tpu.memory_space<hbm>> -> memref<16x1024xf32, #tpu.memory_space<hbm>>
      tpu.wait_dma2 semaphore(%arg7 : memref<!tpu.dma_semaphore, #tpu.memory_space<semaphore_mem>>) src(%dma_wait3A_176 : memref<16x1024xf32, #tpu.memory_space<hbm>>) dst(%dma_wait3A_173 : memref<16x1024xf32, #tpu.memory_space<vmem>>)
      %dma_wait3A_177 = arith.constant 1 : i32
      %dma_wait3A_178 = arith.constant 0 : i32
      %dma_wait3A_179 = arith.constant 1024 : i32
      %dma_wait3A_180 = tpu.memref_slice %arg5[%dma_wait3A_177, %dma_wait3A_178, %dma_wait3A_179] : memref<4x16x1152xf32, #tpu.memory_space<vmem>> -> memref<1x16x128xf32, #tpu.memory_space<vmem>>
      %dma_wait3A_181 = tpu.memref_squeeze %dma_wait3A_180 : memref<1x16x128xf32, #tpu.memory_space<vmem>> -> memref<16x128xf32, #tpu.memory_space<vmem>>
      %dma_wait3A_182 = arith.constant 0 : i32
      %dma_wait3A_183 = arith.constant 0 : i32
      %dma_wait3A_184 = tpu.memref_slice %arg3[%dma_wait3A_182, %dma_wait3A_183] : memref<4096x128xf32, #tpu.memory_space<hbm>> -> memref<16x128xf32, #tpu.memory_space<hbm>>
      %dma_wait3A_185 = arith.constant 0 : i32
      %dma_wait3A_186 = arith.constant 1024 : i32
      %dma_wait3A_187 = tpu.memref_slice %arg5[%dma_wait3A_177, %dma_wait3A_185, %dma_wait3A_186] : memref<4x16x1152xf32, #tpu.memory_space<vmem>> -> memref<1x16x128xf32, #tpu.memory_space<vmem>>
      %dma_wait3A_188 = tpu.memref_squeeze %dma_wait3A_187 : memref<1x16x128xf32, #tpu.memory_space<vmem>> -> memref<16x128xf32, #tpu.memory_space<vmem>>
      %dma_wait3A_189 = arith.constant 0 : i32
      %dma_wait3A_190 = arith.constant 0 : i32
      %dma_wait3A_191 = tpu.memref_slice %arg3[%dma_wait3A_189, %dma_wait3A_190] : memref<4096x128xf32, #tpu.memory_space<hbm>> -> memref<16x128xf32, #tpu.memory_space<hbm>>
      tpu.wait_dma2 semaphore(%arg7 : memref<!tpu.dma_semaphore, #tpu.memory_space<semaphore_mem>>) src(%dma_wait3A_191 : memref<16x128xf32, #tpu.memory_space<hbm>>) dst(%dma_wait3A_188 : memref<16x128xf32, #tpu.memory_space<vmem>>)
      %mul3A_192 = arith.constant 16 : i32
      %mul3A_193 = arith.muli %add3A_154, %mul3A_192 : i32
      %add3A_194 = arith.addi %mul3A_2, %mul3A_193 : i32
      %dma_start3A_195 = arith.constant 1 : i32
      %dma_start3A_196 = arith.constant 0 : i32
      %dma_start3A_197 = arith.constant 0 : i32
      %dma_start3A_198 = tpu.memref_slice %arg5[%dma_start3A_195, %dma_start3A_196, %dma_start3A_197] : memref<4x16x1152xf32, #tpu.memory_space<vmem>> -> memref<1x16x1152xf32, #tpu.memory_space<vmem>>
      %dma_start3A_199 = tpu.memref_squeeze %dma_start3A_198 : memref<1x16x1152xf32, #tpu.memory_space<vmem>> -> memref<16x1152xf32, #tpu.memory_space<vmem>>
      %dma_start3A_200 = arith.constant 0 : i32
      %dma_start3A_201 = tpu.memref_slice %arg4[%add3A_194, %dma_start3A_200] : memref<16384x1152xf32, #tpu.memory_space<hbm>> -> memref<16x1152xf32, #tpu.memory_space<hbm>>
      %dma_start3A_202 = arith.constant 0 : i32
      %dma_start3A_203 = tpu.memref_slice %arg4[%add3A_194, %dma_start3A_202] : memref<16384x1152xf32, #tpu.memory_space<hbm>> -> memref<16x1152xf32, #tpu.memory_space<hbm>>
      %dma_start3A_204 = arith.constant 0 : i32
      %dma_start3A_205 = arith.constant 0 : i32
      %dma_start3A_206 = tpu.memref_slice %arg5[%dma_start3A_195, %dma_start3A_204, %dma_start3A_205] : memref<4x16x1152xf32, #tpu.memory_space<vmem>> -> memref<1x16x1152xf32, #tpu.memory_space<vmem>>
      %dma_start3A_207 = tpu.memref_squeeze %dma_start3A_206 : memref<1x16x1152xf32, #tpu.memory_space<vmem>> -> memref<16x1152xf32, #tpu.memory_space<vmem>>
      tpu.enqueue_dma source(%dma_start3A_207 : memref<16x1152xf32, #tpu.memory_space<vmem>>) target(%dma_start3A_203 : memref<16x1152xf32, #tpu.memory_space<hbm>>) target_semaphore(%arg11 : memref<!tpu.dma_semaphore, #tpu.memory_space<semaphore_mem>>)
      %add3A_208 = arith.constant 2 : i32
      %add3A_209 = arith.addi %add3A_100, %add3A_208 : i32
      %add3A_210 = arith.constant 2 : i32
      %add3A_211 = arith.addi %add3A_209, %add3A_210 : i32
      %lt3A_212 = arith.constant 32 : i32
      %lt3A_213 = arith.cmpi slt, %add3A_211, %lt3A_212 : i32
      %convert_element_type3A_214 = arith.extui %lt3A_213 : i1 to i32
      %cond3A_215 = arith.constant 0 : i32
      %cond3A_216 = arith.cmpi ne, %convert_element_type3A_214, %cond3A_215 : i32
      scf.if %cond3A_216 {
        %ge3A = arith.constant 2 : i32
        %ge3A_318 = arith.cmpi sge, %add3A_209, %ge3A : i32
        %convert_element_type3A_319 = arith.extui %ge3A_318 : i1 to i32
        %cond3A_320 = arith.constant 0 : i32
        %cond3A_321 = arith.cmpi ne, %convert_element_type3A_319, %cond3A_320 : i32
        scf.if %cond3A_321 {
          %dma_wait3A_356 = arith.constant 0 : i32
          %dma_wait3A_357 = arith.constant 0 : i32
          %dma_wait3A_358 = arith.constant 0 : i32
          %dma_wait3A_359 = tpu.memref_slice %arg5[%dma_wait3A_356, %dma_wait3A_357, %dma_wait3A_358] : memref<4x16x1152xf32, #tpu.memory_space<vmem>> -> memref<1x16x1152xf32, #tpu.memory_space<vmem>>
          %dma_wait3A_360 = tpu.memref_squeeze %dma_wait3A_359 : memref<1x16x1152xf32, #tpu.memory_space<vmem>> -> memref<16x1152xf32, #tpu.memory_space<vmem>>
          %dma_wait3A_361 = arith.constant 0 : i32
          %dma_wait3A_362 = arith.constant 0 : i32
          %dma_wait3A_363 = tpu.memref_slice %arg4[%dma_wait3A_361, %dma_wait3A_362] : memref<16384x1152xf32, #tpu.memory_space<hbm>> -> memref<16x1152xf32, #tpu.memory_space<hbm>>
          %dma_wait3A_364 = arith.constant 0 : i32
          %dma_wait3A_365 = arith.constant 0 : i32
          %dma_wait3A_366 = tpu.memref_slice %arg4[%dma_wait3A_364, %dma_wait3A_365] : memref<16384x1152xf32, #tpu.memory_space<hbm>> -> memref<16x1152xf32, #tpu.memory_space<hbm>>
          %dma_wait3A_367 = arith.constant 0 : i32
          %dma_wait3A_368 = arith.constant 0 : i32
          %dma_wait3A_369 = tpu.memref_slice %arg5[%dma_wait3A_356, %dma_wait3A_367, %dma_wait3A_368] : memref<4x16x1152xf32, #tpu.memory_space<vmem>> -> memref<1x16x1152xf32, #tpu.memory_space<vmem>>
          %dma_wait3A_370 = tpu.memref_squeeze %dma_wait3A_369 : memref<1x16x1152xf32, #tpu.memory_space<vmem>> -> memref<16x1152xf32, #tpu.memory_space<vmem>>
          tpu.wait_dma2 semaphore(%arg10 : memref<!tpu.dma_semaphore, #tpu.memory_space<semaphore_mem>>) src(%dma_wait3A_370 : memref<16x1152xf32, #tpu.memory_space<vmem>>) dst(%dma_wait3A_366 : memref<16x1152xf32, #tpu.memory_space<hbm>>)
        } else {
        }
        %add3A_322 = arith.constant 2 : i32
        %add3A_323 = arith.addi %add3A_209, %add3A_322 : i32
        %mul3A_324 = arith.constant 16 : i32
        %mul3A_325 = arith.muli %add3A_323, %mul3A_324 : i32
        %add3A_326 = arith.addi %mul3A_2, %mul3A_325 : i32
        %mul3A_327 = arith.constant 16 : i32
        %mul3A_328 = arith.muli %add3A_323, %mul3A_327 : i32
        %add3A_329 = arith.addi %rem3A_3, %mul3A_328 : i32
        %dma_start3A_330 = arith.constant 0 : i32
        %dma_start3A_331 = arith.constant 0 : i32
        %dma_start3A_332 = arith.constant 0 : i32
        %dma_start3A_333 = tpu.memref_slice %arg5[%dma_start3A_330, %dma_start3A_331, %dma_start3A_332] : memref<4x16x1152xf32, #tpu.memory_space<vmem>> -> memref<1x16x1024xf32, #tpu.memory_space<vmem>>
        %dma_start3A_334 = tpu.memref_squeeze %dma_start3A_333 : memref<1x16x1024xf32, #tpu.memory_space<vmem>> -> memref<16x1024xf32, #tpu.memory_space<vmem>>
        %dma_start3A_335 = arith.constant 0 : i32
        %dma_start3A_336 = tpu.memref_slice %arg2[%add3A_326, %dma_start3A_335] : memref<16384x1024xf32, #tpu.memory_space<hbm>> -> memref<16x1024xf32, #tpu.memory_space<hbm>>
        %dma_start3A_337 = arith.constant 0 : i32
        %dma_start3A_338 = arith.constant 0 : i32
        %dma_start3A_339 = tpu.memref_slice %arg5[%dma_start3A_330, %dma_start3A_337, %dma_start3A_338] : memref<4x16x1152xf32, #tpu.memory_space<vmem>> -> memref<1x16x1024xf32, #tpu.memory_space<vmem>>
        %dma_start3A_340 = tpu.memref_squeeze %dma_start3A_339 : memref<1x16x1024xf32, #tpu.memory_space<vmem>> -> memref<16x1024xf32, #tpu.memory_space<vmem>>
        %dma_start3A_341 = arith.constant 0 : i32
        %dma_start3A_342 = tpu.memref_slice %arg2[%add3A_326, %dma_start3A_341] : memref<16384x1024xf32, #tpu.memory_space<hbm>> -> memref<16x1024xf32, #tpu.memory_space<hbm>>
        tpu.enqueue_dma source(%dma_start3A_342 : memref<16x1024xf32, #tpu.memory_space<hbm>>) target(%dma_start3A_340 : memref<16x1024xf32, #tpu.memory_space<vmem>>) target_semaphore(%arg6 : memref<!tpu.dma_semaphore, #tpu.memory_space<semaphore_mem>>)
        %dma_start3A_343 = arith.constant 0 : i32
        %dma_start3A_344 = arith.constant 0 : i32
        %dma_start3A_345 = arith.constant 1024 : i32
        %dma_start3A_346 = tpu.memref_slice %arg5[%dma_start3A_343, %dma_start3A_344, %dma_start3A_345] : memref<4x16x1152xf32, #tpu.memory_space<vmem>> -> memref<1x16x128xf32, #tpu.memory_space<vmem>>
        %dma_start3A_347 = tpu.memref_squeeze %dma_start3A_346 : memref<1x16x128xf32, #tpu.memory_space<vmem>> -> memref<16x128xf32, #tpu.memory_space<vmem>>
        %dma_start3A_348 = arith.constant 0 : i32
        %dma_start3A_349 = tpu.memref_slice %arg3[%add3A_329, %dma_start3A_348] : memref<4096x128xf32, #tpu.memory_space<hbm>> -> memref<16x128xf32, #tpu.memory_space<hbm>>
        %dma_start3A_350 = arith.constant 0 : i32
        %dma_start3A_351 = arith.constant 1024 : i32
        %dma_start3A_352 = tpu.memref_slice %arg5[%dma_start3A_343, %dma_start3A_350, %dma_start3A_351] : memref<4x16x1152xf32, #tpu.memory_space<vmem>> -> memref<1x16x128xf32, #tpu.memory_space<vmem>>
        %dma_start3A_353 = tpu.memref_squeeze %dma_start3A_352 : memref<1x16x128xf32, #tpu.memory_space<vmem>> -> memref<16x128xf32, #tpu.memory_space<vmem>>
        %dma_start3A_354 = arith.constant 0 : i32
        %dma_start3A_355 = tpu.memref_slice %arg3[%add3A_329, %dma_start3A_354] : memref<4096x128xf32, #tpu.memory_space<hbm>> -> memref<16x128xf32, #tpu.memory_space<hbm>>
        tpu.enqueue_dma source(%dma_start3A_355 : memref<16x128xf32, #tpu.memory_space<hbm>>) target(%dma_start3A_353 : memref<16x128xf32, #tpu.memory_space<vmem>>) target_semaphore(%arg6 : memref<!tpu.dma_semaphore, #tpu.memory_space<semaphore_mem>>)
      } else {
      }
      %dma_wait3A_217 = arith.constant 2 : i32
      %dma_wait3A_218 = arith.constant 0 : i32
      %dma_wait3A_219 = arith.constant 0 : i32
      %dma_wait3A_220 = tpu.memref_slice %arg5[%dma_wait3A_217, %dma_wait3A_218, %dma_wait3A_219] : memref<4x16x1152xf32, #tpu.memory_space<vmem>> -> memref<1x16x1024xf32, #tpu.memory_space<vmem>>
      %dma_wait3A_221 = tpu.memref_squeeze %dma_wait3A_220 : memref<1x16x1024xf32, #tpu.memory_space<vmem>> -> memref<16x1024xf32, #tpu.memory_space<vmem>>
      %dma_wait3A_222 = arith.constant 0 : i32
      %dma_wait3A_223 = arith.constant 0 : i32
      %dma_wait3A_224 = tpu.memref_slice %arg2[%dma_wait3A_222, %dma_wait3A_223] : memref<16384x1024xf32, #tpu.memory_space<hbm>> -> memref<16x1024xf32, #tpu.memory_space<hbm>>
      %dma_wait3A_225 = arith.constant 0 : i32
      %dma_wait3A_226 = arith.constant 0 : i32
      %dma_wait3A_227 = tpu.memref_slice %arg5[%dma_wait3A_217, %dma_wait3A_225, %dma_wait3A_226] : memref<4x16x1152xf32, #tpu.memory_space<vmem>> -> memref<1x16x1024xf32, #tpu.memory_space<vmem>>
      %dma_wait3A_228 = tpu.memref_squeeze %dma_wait3A_227 : memref<1x16x1024xf32, #tpu.memory_space<vmem>> -> memref<16x1024xf32, #tpu.memory_space<vmem>>
      %dma_wait3A_229 = arith.constant 0 : i32
      %dma_wait3A_230 = arith.constant 0 : i32
      %dma_wait3A_231 = tpu.memref_slice %arg2[%dma_wait3A_229, %dma_wait3A_230] : memref<16384x1024xf32, #tpu.memory_space<hbm>> -> memref<16x1024xf32, #tpu.memory_space<hbm>>
      tpu.wait_dma2 semaphore(%arg8 : memref<!tpu.dma_semaphore, #tpu.memory_space<semaphore_mem>>) src(%dma_wait3A_231 : memref<16x1024xf32, #tpu.memory_space<hbm>>) dst(%dma_wait3A_228 : memref<16x1024xf32, #tpu.memory_space<vmem>>)
      %dma_wait3A_232 = arith.constant 2 : i32
      %dma_wait3A_233 = arith.constant 0 : i32
      %dma_wait3A_234 = arith.constant 1024 : i32
      %dma_wait3A_235 = tpu.memref_slice %arg5[%dma_wait3A_232, %dma_wait3A_233, %dma_wait3A_234] : memref<4x16x1152xf32, #tpu.memory_space<vmem>> -> memref<1x16x128xf32, #tpu.memory_space<vmem>>
      %dma_wait3A_236 = tpu.memref_squeeze %dma_wait3A_235 : memref<1x16x128xf32, #tpu.memory_space<vmem>> -> memref<16x128xf32, #tpu.memory_space<vmem>>
      %dma_wait3A_237 = arith.constant 0 : i32
      %dma_wait3A_238 = arith.constant 0 : i32
      %dma_wait3A_239 = tpu.memref_slice %arg3[%dma_wait3A_237, %dma_wait3A_238] : memref<4096x128xf32, #tpu.memory_space<hbm>> -> memref<16x128xf32, #tpu.memory_space<hbm>>
      %dma_wait3A_240 = arith.constant 0 : i32
      %dma_wait3A_241 = arith.constant 1024 : i32
      %dma_wait3A_242 = tpu.memref_slice %arg5[%dma_wait3A_232, %dma_wait3A_240, %dma_wait3A_241] : memref<4x16x1152xf32, #tpu.memory_space<vmem>> -> memref<1x16x128xf32, #tpu.memory_space<vmem>>
      %dma_wait3A_243 = tpu.memref_squeeze %dma_wait3A_242 : memref<1x16x128xf32, #tpu.memory_space<vmem>> -> memref<16x128xf32, #tpu.memory_space<vmem>>
      %dma_wait3A_244 = arith.constant 0 : i32
      %dma_wait3A_245 = arith.constant 0 : i32
      %dma_wait3A_246 = tpu.memref_slice %arg3[%dma_wait3A_244, %dma_wait3A_245] : memref<4096x128xf32, #tpu.memory_space<hbm>> -> memref<16x128xf32, #tpu.memory_space<hbm>>
      tpu.wait_dma2 semaphore(%arg8 : memref<!tpu.dma_semaphore, #tpu.memory_space<semaphore_mem>>) src(%dma_wait3A_246 : memref<16x128xf32, #tpu.memory_space<hbm>>) dst(%dma_wait3A_243 : memref<16x128xf32, #tpu.memory_space<vmem>>)
      %mul3A_247 = arith.constant 16 : i32
      %mul3A_248 = arith.muli %add3A_209, %mul3A_247 : i32
      %add3A_249 = arith.addi %mul3A_2, %mul3A_248 : i32
      %dma_start3A_250 = arith.constant 2 : i32
      %dma_start3A_251 = arith.constant 0 : i32
      %dma_start3A_252 = arith.constant 0 : i32
      %dma_start3A_253 = tpu.memref_slice %arg5[%dma_start3A_250, %dma_start3A_251, %dma_start3A_252] : memref<4x16x1152xf32, #tpu.memory_space<vmem>> -> memref<1x16x1152xf32, #tpu.memory_space<vmem>>
      %dma_start3A_254 = tpu.memref_squeeze %dma_start3A_253 : memref<1x16x1152xf32, #tpu.memory_space<vmem>> -> memref<16x1152xf32, #tpu.memory_space<vmem>>
      %dma_start3A_255 = arith.constant 0 : i32
      %dma_start3A_256 = tpu.memref_slice %arg4[%add3A_249, %dma_start3A_255] : memref<16384x1152xf32, #tpu.memory_space<hbm>> -> memref<16x1152xf32, #tpu.memory_space<hbm>>
      %dma_start3A_257 = arith.constant 0 : i32
      %dma_start3A_258 = tpu.memref_slice %arg4[%add3A_249, %dma_start3A_257] : memref<16384x1152xf32, #tpu.memory_space<hbm>> -> memref<16x1152xf32, #tpu.memory_space<hbm>>
      %dma_start3A_259 = arith.constant 0 : i32
      %dma_start3A_260 = arith.constant 0 : i32
      %dma_start3A_261 = tpu.memref_slice %arg5[%dma_start3A_250, %dma_start3A_259, %dma_start3A_260] : memref<4x16x1152xf32, #tpu.memory_space<vmem>> -> memref<1x16x1152xf32, #tpu.memory_space<vmem>>
      %dma_start3A_262 = tpu.memref_squeeze %dma_start3A_261 : memref<1x16x1152xf32, #tpu.memory_space<vmem>> -> memref<16x1152xf32, #tpu.memory_space<vmem>>
      tpu.enqueue_dma source(%dma_start3A_262 : memref<16x1152xf32, #tpu.memory_space<vmem>>) target(%dma_start3A_258 : memref<16x1152xf32, #tpu.memory_space<hbm>>) target_semaphore(%arg12 : memref<!tpu.dma_semaphore, #tpu.memory_space<semaphore_mem>>)
      %add3A_263 = arith.constant 3 : i32
      %add3A_264 = arith.addi %add3A_100, %add3A_263 : i32
      %add3A_265 = arith.constant 2 : i32
      %add3A_266 = arith.addi %add3A_264, %add3A_265 : i32
      %lt3A_267 = arith.constant 32 : i32
      %lt3A_268 = arith.cmpi slt, %add3A_266, %lt3A_267 : i32
      %convert_element_type3A_269 = arith.extui %lt3A_268 : i1 to i32
      %cond3A_270 = arith.constant 0 : i32
      %cond3A_271 = arith.cmpi ne, %convert_element_type3A_269, %cond3A_270 : i32
      scf.if %cond3A_271 {
        %ge3A = arith.constant 2 : i32
        %ge3A_318 = arith.cmpi sge, %add3A_264, %ge3A : i32
        %convert_element_type3A_319 = arith.extui %ge3A_318 : i1 to i32
        %cond3A_320 = arith.constant 0 : i32
        %cond3A_321 = arith.cmpi ne, %convert_element_type3A_319, %cond3A_320 : i32
        scf.if %cond3A_321 {
          %dma_wait3A_356 = arith.constant 1 : i32
          %dma_wait3A_357 = arith.constant 0 : i32
          %dma_wait3A_358 = arith.constant 0 : i32
          %dma_wait3A_359 = tpu.memref_slice %arg5[%dma_wait3A_356, %dma_wait3A_357, %dma_wait3A_358] : memref<4x16x1152xf32, #tpu.memory_space<vmem>> -> memref<1x16x1152xf32, #tpu.memory_space<vmem>>
          %dma_wait3A_360 = tpu.memref_squeeze %dma_wait3A_359 : memref<1x16x1152xf32, #tpu.memory_space<vmem>> -> memref<16x1152xf32, #tpu.memory_space<vmem>>
          %dma_wait3A_361 = arith.constant 0 : i32
          %dma_wait3A_362 = arith.constant 0 : i32
          %dma_wait3A_363 = tpu.memref_slice %arg4[%dma_wait3A_361, %dma_wait3A_362] : memref<16384x1152xf32, #tpu.memory_space<hbm>> -> memref<16x1152xf32, #tpu.memory_space<hbm>>
          %dma_wait3A_364 = arith.constant 0 : i32
          %dma_wait3A_365 = arith.constant 0 : i32
          %dma_wait3A_366 = tpu.memref_slice %arg4[%dma_wait3A_364, %dma_wait3A_365] : memref<16384x1152xf32, #tpu.memory_space<hbm>> -> memref<16x1152xf32, #tpu.memory_space<hbm>>
          %dma_wait3A_367 = arith.constant 0 : i32
          %dma_wait3A_368 = arith.constant 0 : i32
          %dma_wait3A_369 = tpu.memref_slice %arg5[%dma_wait3A_356, %dma_wait3A_367, %dma_wait3A_368] : memref<4x16x1152xf32, #tpu.memory_space<vmem>> -> memref<1x16x1152xf32, #tpu.memory_space<vmem>>
          %dma_wait3A_370 = tpu.memref_squeeze %dma_wait3A_369 : memref<1x16x1152xf32, #tpu.memory_space<vmem>> -> memref<16x1152xf32, #tpu.memory_space<vmem>>
          tpu.wait_dma2 semaphore(%arg11 : memref<!tpu.dma_semaphore, #tpu.memory_space<semaphore_mem>>) src(%dma_wait3A_370 : memref<16x1152xf32, #tpu.memory_space<vmem>>) dst(%dma_wait3A_366 : memref<16x1152xf32, #tpu.memory_space<hbm>>)
        } else {
        }
        %add3A_322 = arith.constant 2 : i32
        %add3A_323 = arith.addi %add3A_264, %add3A_322 : i32
        %mul3A_324 = arith.constant 16 : i32
        %mul3A_325 = arith.muli %add3A_323, %mul3A_324 : i32
        %add3A_326 = arith.addi %mul3A_2, %mul3A_325 : i32
        %mul3A_327 = arith.constant 16 : i32
        %mul3A_328 = arith.muli %add3A_323, %mul3A_327 : i32
        %add3A_329 = arith.addi %rem3A_3, %mul3A_328 : i32
        %dma_start3A_330 = arith.constant 1 : i32
        %dma_start3A_331 = arith.constant 0 : i32
        %dma_start3A_332 = arith.constant 0 : i32
        %dma_start3A_333 = tpu.memref_slice %arg5[%dma_start3A_330, %dma_start3A_331, %dma_start3A_332] : memref<4x16x1152xf32, #tpu.memory_space<vmem>> -> memref<1x16x1024xf32, #tpu.memory_space<vmem>>
        %dma_start3A_334 = tpu.memref_squeeze %dma_start3A_333 : memref<1x16x1024xf32, #tpu.memory_space<vmem>> -> memref<16x1024xf32, #tpu.memory_space<vmem>>
        %dma_start3A_335 = arith.constant 0 : i32
        %dma_start3A_336 = tpu.memref_slice %arg2[%add3A_326, %dma_start3A_335] : memref<16384x1024xf32, #tpu.memory_space<hbm>> -> memref<16x1024xf32, #tpu.memory_space<hbm>>
        %dma_start3A_337 = arith.constant 0 : i32
        %dma_start3A_338 = arith.constant 0 : i32
        %dma_start3A_339 = tpu.memref_slice %arg5[%dma_start3A_330, %dma_start3A_337, %dma_start3A_338] : memref<4x16x1152xf32, #tpu.memory_space<vmem>> -> memref<1x16x1024xf32, #tpu.memory_space<vmem>>
        %dma_start3A_340 = tpu.memref_squeeze %dma_start3A_339 : memref<1x16x1024xf32, #tpu.memory_space<vmem>> -> memref<16x1024xf32, #tpu.memory_space<vmem>>
        %dma_start3A_341 = arith.constant 0 : i32
        %dma_start3A_342 = tpu.memref_slice %arg2[%add3A_326, %dma_start3A_341] : memref<16384x1024xf32, #tpu.memory_space<hbm>> -> memref<16x1024xf32, #tpu.memory_space<hbm>>
        tpu.enqueue_dma source(%dma_start3A_342 : memref<16x1024xf32, #tpu.memory_space<hbm>>) target(%dma_start3A_340 : memref<16x1024xf32, #tpu.memory_space<vmem>>) target_semaphore(%arg7 : memref<!tpu.dma_semaphore, #tpu.memory_space<semaphore_mem>>)
        %dma_start3A_343 = arith.constant 1 : i32
        %dma_start3A_344 = arith.constant 0 : i32
        %dma_start3A_345 = arith.constant 1024 : i32
        %dma_start3A_346 = tpu.memref_slice %arg5[%dma_start3A_343, %dma_start3A_344, %dma_start3A_345] : memref<4x16x1152xf32, #tpu.memory_space<vmem>> -> memref<1x16x128xf32, #tpu.memory_space<vmem>>
        %dma_start3A_347 = tpu.memref_squeeze %dma_start3A_346 : memref<1x16x128xf32, #tpu.memory_space<vmem>> -> memref<16x128xf32, #tpu.memory_space<vmem>>
        %dma_start3A_348 = arith.constant 0 : i32
        %dma_start3A_349 = tpu.memref_slice %arg3[%add3A_329, %dma_start3A_348] : memref<4096x128xf32, #tpu.memory_space<hbm>> -> memref<16x128xf32, #tpu.memory_space<hbm>>
        %dma_start3A_350 = arith.constant 0 : i32
        %dma_start3A_351 = arith.constant 1024 : i32
        %dma_start3A_352 = tpu.memref_slice %arg5[%dma_start3A_343, %dma_start3A_350, %dma_start3A_351] : memref<4x16x1152xf32, #tpu.memory_space<vmem>> -> memref<1x16x128xf32, #tpu.memory_space<vmem>>
        %dma_start3A_353 = tpu.memref_squeeze %dma_start3A_352 : memref<1x16x128xf32, #tpu.memory_space<vmem>> -> memref<16x128xf32, #tpu.memory_space<vmem>>
        %dma_start3A_354 = arith.constant 0 : i32
        %dma_start3A_355 = tpu.memref_slice %arg3[%add3A_329, %dma_start3A_354] : memref<4096x128xf32, #tpu.memory_space<hbm>> -> memref<16x128xf32, #tpu.memory_space<hbm>>
        tpu.enqueue_dma source(%dma_start3A_355 : memref<16x128xf32, #tpu.memory_space<hbm>>) target(%dma_start3A_353 : memref<16x128xf32, #tpu.memory_space<vmem>>) target_semaphore(%arg7 : memref<!tpu.dma_semaphore, #tpu.memory_space<semaphore_mem>>)
      } else {
      }
      %dma_wait3A_272 = arith.constant 3 : i32
      %dma_wait3A_273 = arith.constant 0 : i32
      %dma_wait3A_274 = arith.constant 0 : i32
      %dma_wait3A_275 = tpu.memref_slice %arg5[%dma_wait3A_272, %dma_wait3A_273, %dma_wait3A_274] : memref<4x16x1152xf32, #tpu.memory_space<vmem>> -> memref<1x16x1024xf32, #tpu.memory_space<vmem>>
      %dma_wait3A_276 = tpu.memref_squeeze %dma_wait3A_275 : memref<1x16x1024xf32, #tpu.memory_space<vmem>> -> memref<16x1024xf32, #tpu.memory_space<vmem>>
      %dma_wait3A_277 = arith.constant 0 : i32
      %dma_wait3A_278 = arith.constant 0 : i32
      %dma_wait3A_279 = tpu.memref_slice %arg2[%dma_wait3A_277, %dma_wait3A_278] : memref<16384x1024xf32, #tpu.memory_space<hbm>> -> memref<16x1024xf32, #tpu.memory_space<hbm>>
      %dma_wait3A_280 = arith.constant 0 : i32
      %dma_wait3A_281 = arith.constant 0 : i32
      %dma_wait3A_282 = tpu.memref_slice %arg5[%dma_wait3A_272, %dma_wait3A_280, %dma_wait3A_281] : memref<4x16x1152xf32, #tpu.memory_space<vmem>> -> memref<1x16x1024xf32, #tpu.memory_space<vmem>>
      %dma_wait3A_283 = tpu.memref_squeeze %dma_wait3A_282 : memref<1x16x1024xf32, #tpu.memory_space<vmem>> -> memref<16x1024xf32, #tpu.memory_space<vmem>>
      %dma_wait3A_284 = arith.constant 0 : i32
      %dma_wait3A_285 = arith.constant 0 : i32
      %dma_wait3A_286 = tpu.memref_slice %arg2[%dma_wait3A_284, %dma_wait3A_285] : memref<16384x1024xf32, #tpu.memory_space<hbm>> -> memref<16x1024xf32, #tpu.memory_space<hbm>>
      tpu.wait_dma2 semaphore(%arg9 : memref<!tpu.dma_semaphore, #tpu.memory_space<semaphore_mem>>) src(%dma_wait3A_286 : memref<16x1024xf32, #tpu.memory_space<hbm>>) dst(%dma_wait3A_283 : memref<16x1024xf32, #tpu.memory_space<vmem>>)
      %dma_wait3A_287 = arith.constant 3 : i32
      %dma_wait3A_288 = arith.constant 0 : i32
      %dma_wait3A_289 = arith.constant 1024 : i32
      %dma_wait3A_290 = tpu.memref_slice %arg5[%dma_wait3A_287, %dma_wait3A_288, %dma_wait3A_289] : memref<4x16x1152xf32, #tpu.memory_space<vmem>> -> memref<1x16x128xf32, #tpu.memory_space<vmem>>
      %dma_wait3A_291 = tpu.memref_squeeze %dma_wait3A_290 : memref<1x16x128xf32, #tpu.memory_space<vmem>> -> memref<16x128xf32, #tpu.memory_space<vmem>>
      %dma_wait3A_292 = arith.constant 0 : i32
      %dma_wait3A_293 = arith.constant 0 : i32
      %dma_wait3A_294 = tpu.memref_slice %arg3[%dma_wait3A_292, %dma_wait3A_293] : memref<4096x128xf32, #tpu.memory_space<hbm>> -> memref<16x128xf32, #tpu.memory_space<hbm>>
      %dma_wait3A_295 = arith.constant 0 : i32
      %dma_wait3A_296 = arith.constant 1024 : i32
      %dma_wait3A_297 = tpu.memref_slice %arg5[%dma_wait3A_287, %dma_wait3A_295, %dma_wait3A_296] : memref<4x16x1152xf32, #tpu.memory_space<vmem>> -> memref<1x16x128xf32, #tpu.memory_space<vmem>>
      %dma_wait3A_298 = tpu.memref_squeeze %dma_wait3A_297 : memref<1x16x128xf32, #tpu.memory_space<vmem>> -> memref<16x128xf32, #tpu.memory_space<vmem>>
      %dma_wait3A_299 = arith.constant 0 : i32
      %dma_wait3A_300 = arith.constant 0 : i32
      %dma_wait3A_301 = tpu.memref_slice %arg3[%dma_wait3A_299, %dma_wait3A_300] : memref<4096x128xf32, #tpu.memory_space<hbm>> -> memref<16x128xf32, #tpu.memory_space<hbm>>
      tpu.wait_dma2 semaphore(%arg9 : memref<!tpu.dma_semaphore, #tpu.memory_space<semaphore_mem>>) src(%dma_wait3A_301 : memref<16x128xf32, #tpu.memory_space<hbm>>) dst(%dma_wait3A_298 : memref<16x128xf32, #tpu.memory_space<vmem>>)
      %mul3A_302 = arith.constant 16 : i32
      %mul3A_303 = arith.muli %add3A_264, %mul3A_302 : i32
      %add3A_304 = arith.addi %mul3A_2, %mul3A_303 : i32
      %dma_start3A_305 = arith.constant 3 : i32
      %dma_start3A_306 = arith.constant 0 : i32
      %dma_start3A_307 = arith.constant 0 : i32
      %dma_start3A_308 = tpu.memref_slice %arg5[%dma_start3A_305, %dma_start3A_306, %dma_start3A_307] : memref<4x16x1152xf32, #tpu.memory_space<vmem>> -> memref<1x16x1152xf32, #tpu.memory_space<vmem>>
      %dma_start3A_309 = tpu.memref_squeeze %dma_start3A_308 : memref<1x16x1152xf32, #tpu.memory_space<vmem>> -> memref<16x1152xf32, #tpu.memory_space<vmem>>
      %dma_start3A_310 = arith.constant 0 : i32
      %dma_start3A_311 = tpu.memref_slice %arg4[%add3A_304, %dma_start3A_310] : memref<16384x1152xf32, #tpu.memory_space<hbm>> -> memref<16x1152xf32, #tpu.memory_space<hbm>>
      %dma_start3A_312 = arith.constant 0 : i32
      %dma_start3A_313 = tpu.memref_slice %arg4[%add3A_304, %dma_start3A_312] : memref<16384x1152xf32, #tpu.memory_space<hbm>> -> memref<16x1152xf32, #tpu.memory_space<hbm>>
      %dma_start3A_314 = arith.constant 0 : i32
      %dma_start3A_315 = arith.constant 0 : i32
      %dma_start3A_316 = tpu.memref_slice %arg5[%dma_start3A_305, %dma_start3A_314, %dma_start3A_315] : memref<4x16x1152xf32, #tpu.memory_space<vmem>> -> memref<1x16x1152xf32, #tpu.memory_space<vmem>>
      %dma_start3A_317 = tpu.memref_squeeze %dma_start3A_316 : memref<1x16x1152xf32, #tpu.memory_space<vmem>> -> memref<16x1152xf32, #tpu.memory_space<vmem>>
      tpu.enqueue_dma source(%dma_start3A_317 : memref<16x1152xf32, #tpu.memory_space<vmem>>) target(%dma_start3A_313 : memref<16x1152xf32, #tpu.memory_space<hbm>>) target_semaphore(%arg13 : memref<!tpu.dma_semaphore, #tpu.memory_space<semaphore_mem>>)
    }
    %scan3A_66 = arith.constant 8 : i32
    %dma_wait3A = arith.constant 2 : i32
    %dma_wait3A_67 = arith.constant 0 : i32
    %dma_wait3A_68 = arith.constant 0 : i32
    %dma_wait3A_69 = tpu.memref_slice %arg5[%dma_wait3A, %dma_wait3A_67, %dma_wait3A_68] : memref<4x16x1152xf32, #tpu.memory_space<vmem>> -> memref<1x16x1152xf32, #tpu.memory_space<vmem>>
    %dma_wait3A_70 = tpu.memref_squeeze %dma_wait3A_69 : memref<1x16x1152xf32, #tpu.memory_space<vmem>> -> memref<16x1152xf32, #tpu.memory_space<vmem>>
    %dma_wait3A_71 = arith.constant 0 : i32
    %dma_wait3A_72 = arith.constant 0 : i32
    %dma_wait3A_73 = tpu.memref_slice %arg4[%dma_wait3A_71, %dma_wait3A_72] : memref<16384x1152xf32, #tpu.memory_space<hbm>> -> memref<16x1152xf32, #tpu.memory_space<hbm>>
    %dma_wait3A_74 = arith.constant 0 : i32
    %dma_wait3A_75 = arith.constant 0 : i32
    %dma_wait3A_76 = tpu.memref_slice %arg4[%dma_wait3A_74, %dma_wait3A_75] : memref<16384x1152xf32, #tpu.memory_space<hbm>> -> memref<16x1152xf32, #tpu.memory_space<hbm>>
    %dma_wait3A_77 = arith.constant 0 : i32
    %dma_wait3A_78 = arith.constant 0 : i32
    %dma_wait3A_79 = tpu.memref_slice %arg5[%dma_wait3A, %dma_wait3A_77, %dma_wait3A_78] : memref<4x16x1152xf32, #tpu.memory_space<vmem>> -> memref<1x16x1152xf32, #tpu.memory_space<vmem>>
    %dma_wait3A_80 = tpu.memref_squeeze %dma_wait3A_79 : memref<1x16x1152xf32, #tpu.memory_space<vmem>> -> memref<16x1152xf32, #tpu.memory_space<vmem>>
    tpu.wait_dma2 semaphore(%arg12 : memref<!tpu.dma_semaphore, #tpu.memory_space<semaphore_mem>>) src(%dma_wait3A_80 : memref<16x1152xf32, #tpu.memory_space<vmem>>) dst(%dma_wait3A_76 : memref<16x1152xf32, #tpu.memory_space<hbm>>)
    %dma_wait3A_81 = arith.constant 3 : i32
    %dma_wait3A_82 = arith.constant 0 : i32
    %dma_wait3A_83 = arith.constant 0 : i32
    %dma_wait3A_84 = tpu.memref_slice %arg5[%dma_wait3A_81, %dma_wait3A_82, %dma_wait3A_83] : memref<4x16x1152xf32, #tpu.memory_space<vmem>> -> memref<1x16x1152xf32, #tpu.memory_space<vmem>>
    %dma_wait3A_85 = tpu.memref_squeeze %dma_wait3A_84 : memref<1x16x1152xf32, #tpu.memory_space<vmem>> -> memref<16x1152xf32, #tpu.memory_space<vmem>>
    %dma_wait3A_86 = arith.constant 0 : i32
    %dma_wait3A_87 = arith.constant 0 : i32
    %dma_wait3A_88 = tpu.memref_slice %arg4[%dma_wait3A_86, %dma_wait3A_87] : memref<16384x1152xf32, #tpu.memory_space<hbm>> -> memref<16x1152xf32, #tpu.memory_space<hbm>>
    %dma_wait3A_89 = arith.constant 0 : i32
    %dma_wait3A_90 = arith.constant 0 : i32
    %dma_wait3A_91 = tpu.memref_slice %arg4[%dma_wait3A_89, %dma_wait3A_90] : memref<16384x1152xf32, #tpu.memory_space<hbm>> -> memref<16x1152xf32, #tpu.memory_space<hbm>>
    %dma_wait3A_92 = arith.constant 0 : i32
    %dma_wait3A_93 = arith.constant 0 : i32
    %dma_wait3A_94 = tpu.memref_slice %arg5[%dma_wait3A_81, %dma_wait3A_92, %dma_wait3A_93] : memref<4x16x1152xf32, #tpu.memory_space<vmem>> -> memref<1x16x1152xf32, #tpu.memory_space<vmem>>
    %dma_wait3A_95 = tpu.memref_squeeze %dma_wait3A_94 : memref<1x16x1152xf32, #tpu.memory_space<vmem>> -> memref<16x1152xf32, #tpu.memory_space<vmem>>
    tpu.wait_dma2 semaphore(%arg13 : memref<!tpu.dma_semaphore, #tpu.memory_space<semaphore_mem>>) src(%dma_wait3A_95 : memref<16x1152xf32, #tpu.memory_space<vmem>>) dst(%dma_wait3A_91 : memref<16x1152xf32, #tpu.memory_space<hbm>>)
    return
  }
}

</mosaic_0001>

<sc_bundles>
// kernel: kernel.3.cloned.1.call-start
scs
__scs_entry_jumppad:
0x0: {  	(pc) =	sbr.rel $0x88, $3  }
0x1: {  	(tag) =	ssettag $0x0;
	lr =	simm.s32 $0x1  }
0x2: {  	[smem:$0x3F9F] =	sst lr;
	_ =	strace $0xD0000000  }
0x3: {  	_ = 	snop  }
0x4: {  	_ = 	snop  }
0x5: {  	_ = 	snop  }
0x6: {  	_ = 	snop  }
0x7: {  	_ = 	snop  }
__scs_overlays_trampoline_lowered:
0x8: {  	[smem:$0x3FAE] =	sst s0  }
0x9: {  	[smem:$0x3FAF] =	sst s1  }
0xa: {  	[smem:$0x3FB0] =	sst s2  }
0xb: {  	[smem:$0x3FB1] =	sst s3  }
0xc: {  	[smem:$0x3FB2] =	sst s4  }
0xd: {  	[smem:$0x3FB3] =	sst s5  }
0xe: {  	[smem:$0x3FB4] =	sst s6  }
0xf: {  	[smem:$0x3FB5] =	sst s7  }
0x10: {  	[smem:$0x3FB6] =	sst s8  }
0x11: {  	[smem:$0x3FB7] =	sst s9;
	s0 =	simm.s32 @!p0 $0x0  }
0x12: {  	s1 =	sld [smem:$0x3F9D];
	s0 =	simm.s32 @p0 $0x1  }
0x13: {  	[smem:$0x3FB8] =	sst s0;
	s0 =	simm.s32 @!p1 $0x0  }
0x14: {  	s2 =	sld [smem:$0x3F9C];
	s0 =	simm.s32 @p1 $0x1  }
0x15: {  	[smem:$0x3FB9] =	sst s0;
	s0 =	simm.s32 @!p2 $0x0  }
0x16: {  	s3 =	sld [smem:$0x3FDB];
	s0 =	simm.s32 @p2 $0x1  }
0x17: {  	s4 =	simm.s32 $0x1BF5;
	[smem:$0x3FBB] =	sst s0  }
0x18: {  	s0 =	sld [smem:$0x3F9E];
	_ =	swait.ge [sflag:s4], $0x0  }
0x19: {  	s7 =	sld [smem:$0x3F9F]  }
0x1a: {  	s8 =	sadd.s32 $0xFFFFE003, lr  }
0x1b: {  	s9 =	sadd.s32 $0xFFFFFEF7, lr;
	s5 =	simm.s32 $0xFFFFFFFF;
	p2 =	slt.u32 s8, $0xFFFFF086  }
0x1c: {  	p1 =	slt.u32 s9, $0xF7A;
	s5 =	simm.s32 @!p2 $0x0  }
0x1d: {  	s5 =	simm.s32 @p1 $0x1;
	p0 =	seq.s32 s7, s2  }
0x1e: {  	s7 =	smul.u32 @!p0 $0xF7A, s2;
	p2 =	seq.s32 @!p0 s5, $0x0  }
0x1f: {  	s9 =	smul.u32 $0xF7A, s1;
	s8 =	simm.s32 @!p0 $0x1BF5;
	p2 =	por !p2, p0  }
0x20: {  	[sflag:s8] =	ssyncset.s32 @!p0 $0xFFFFF086;
	s6 =	sadd.s32 @!p0 s3, s7;
	s7 =	simm.s32 @!p0 $0x108  }
0x21: {  	s3 =	sadd.s32 s3, s9;
	s6 =	sadd.s32 @!p0 $0x88, s6;
	s7 =	simm.s32 @p2 $0x1082  }
0x22: {  	[simem:s7], [sflag:s8] =	dma.local @!p0 [hbm:s6], $0xF7A  }
0x23: {  	s9 =	sor.u32 $0xD0000000, s2;
	s6 =	simm.s32 $0x108;
	_ =	swait.ge @!p0 [sflag:s8], $0x0  }
0x24: {  	s3 =	sadd.s32 $0x88, s3;
	s6 =	simm.s32 @!p1 $0x1082;
	[sflag:s4] =	ssyncset.s32 $0xFFFFF086  }
0x25: {  	[simem:s6], [sflag:s4] =	dma.local [hbm:s3], $0xF7A  }
0x26: {  	[smem:$0x3F9F] =	sst s1;
	(tag) =	ssettag s2;
	_ =	strace s9  }
0x27: {  	s1 =	sld [smem:$0x3FAF]  }
0x28: {  	s2 =	sld [smem:$0x3FB0]  }
0x29: {  	s4 =	sld [smem:$0x3FB2]  }
0x2a: {  	p0 =	seq.s32 s5, $0x0;
	s5 =	sld [smem:$0x3FB3]  }
0x2b: {  	s6 =	sld [smem:$0x3FB4]  }
0x2c: {  	s7 =	sld [smem:$0x3FB5]  }
0x2d: {  	s3 =	simm.s32 $0x108;
	s8 =	sld [smem:$0x3FB6]  }
0x2e: {  	s3 =	simm.s32 @!p0 $0x1082;
	s9 =	sld [smem:$0x3FB7]  }
0x2f: {  	lr =	sadd.s32 s0, s3;
	s0 =	sld [smem:$0x3FAE]  }
0x30: {  	s3 =	sld [smem:$0x3FB1]  }
0x31: {  	[smem:$0x3FBA] =	sst s10  }
0x32: {  	s10 =	sld [smem:$0x3FB8];
	_ =	sdelay $0x3  }
0x33: {  	p0 =	seq.s32 s10, $0x1;
	s10 =	sld [smem:$0x3FBA];
	_ =	sdelay $0x3  }
0x34: {  	[smem:$0x3FBA] =	sst s10  }
0x35: {  	s10 =	sld [smem:$0x3FB9];
	_ =	sdelay $0x3  }
0x36: {  	p1 =	seq.s32 s10, $0x1;
	s10 =	sld [smem:$0x3FBA];
	_ =	sdelay $0x3  }
0x37: {  	[smem:$0x3FBA] =	sst s10  }
0x38: {  	s10 =	sld [smem:$0x3FBB]  }
0x39: {  	_ = 	snop;
	(pc) =	sbr.ind lr, $3  }
0x3a: {  	_ = 	snop  }
0x3b: {  	_ = 	snop  }
0x3c: {  	p2 =	seq.s32 s10, $0x1;
	s10 =	sld [smem:$0x3FBA]  }
0x3d: {  	_ =	shalt  }
0x3e: {  	_ =	shalt  }
0x3f: {  	_ =	shalt  }
0x40: {  	_ =	shalt  }
0x41: {  	_ =	shalt  }
0x42: {  	_ =	shalt  }
0x43: {  	_ =	shalt  }
0x44: {  	_ =	shalt  }
0x45: {  	_ =	shalt  }
0x46: {  	_ =	shalt  }
0x47: {  	_ =	shalt  }
0x48: {  	_ =	shalt  }
0x49: {  	_ =	shalt  }
0x4a: {  	_ =	shalt  }
0x4b: {  	_ =	shalt  }
0x4c: {  	_ =	shalt  }
0x4d: {  	_ =	shalt  }
0x4e: {  	_ =	shalt  }
0x4f: {  	_ =	shalt  }
0x50: {  	_ =	shalt  }
0x51: {  	_ =	shalt  }
0x52: {  	_ =	shalt  }
0x53: {  	_ =	shalt  }
0x54: {  	_ =	shalt  }
0x55: {  	_ =	shalt  }
0x56: {  	_ =	shalt  }
0x57: {  	_ =	shalt  }
0x58: {  	_ =	shalt  }
0x59: {  	_ =	shalt  }
0x5a: {  	_ =	shalt  }
0x5b: {  	_ =	shalt  }
0x5c: {  	_ =	shalt  }
0x5d: {  	_ =	shalt  }
0x5e: {  	_ =	shalt  }
0x5f: {  	_ =	shalt  }
0x60: {  	_ =	shalt  }
0x61: {  	_ =	shalt  }
0x62: {  	_ =	shalt  }
0x63: {  	_ =	shalt  }
0x64: {  	_ =	shalt  }
0x65: {  	_ =	shalt  }
0x66: {  	_ =	shalt  }
0x67: {  	_ =	shalt  }
0x68: {  	_ =	shalt  }
0x69: {  	_ =	shalt  }
0x6a: {  	_ =	shalt  }
0x6b: {  	_ =	shalt  }
0x6c: {  	_ =	shalt  }
0x6d: {  	_ =	shalt  }
0x6e: {  	_ =	shalt  }
0x6f: {  	_ =	shalt  }
0x70: {  	_ =	shalt  }
0x71: {  	_ =	shalt  }
0x72: {  	_ =	shalt  }
0x73: {  	_ =	shalt  }
0x74: {  	_ =	shalt  }
0x75: {  	_ =	shalt  }
0x76: {  	_ =	shalt  }
0x77: {  	_ =	shalt  }
0x78: {  	_ =	shalt  }
0x79: {  	_ =	shalt  }
0x7a: {  	_ =	shalt  }
0x7b: {  	_ =	shalt  }
0x7c: {  	_ =	shalt  }
0x7d: {  	_ =	shalt  }
0x7e: {  	_ =	shalt  }
0x7f: {  	_ =	shalt  }
0x80: {  	_ =	shalt  }
0x81: {  	_ =	shalt  }
0x82: {  	_ =	shalt  }
0x83: {  	_ =	shalt  }
0x84: {  	_ =	shalt  }
0x85: {  	_ =	shalt  }
0x86: {  	_ =	shalt  }
0x87: {  	_ =	shalt  }
.Lfunc_end0:
.L_simem_size_0:
called_computation_lowered:
.L_overlay_start_0:
0x88: {  	s2 =	sld [smem:$0x3FD9]  }
0x89: {  	s3 =	sld [smem:$0x3FFE];
	_ =	sdelay $0x1  }
0x8a: {  	s1 =	srdreg.scid  }
0x8b: {  	s0 =	sand.u32 $0x1, s1  }
0x8c: {  	s18 =	sshll.u32 s0, $0xA;
	s2 =	sadd.s32 s3, s2  }
0x8d: {  	s2 =	sadd.s32 s2, s18  }
0x8e: {  	[smem:$0x3FC6] =	sst s2  }
0x8f: {  	_ = 	snop  }
0x90: {  	s2 =	sld [smem:$0x3FC9]  }
0x91: {  	s19 =	sld [smem:$0x3FC8]  }
0x92: {  	s4 =	sld [smem:$0x3FD0];
	(tm) =	ssettm $0x1  }
0x93: {  	s5 =	sld [smem:$0x3FFB];
	_ =	sdelay $0x3  }
0x94: {  	_ =	strace s5  }
0x95: {  	s5 =	sld [smem:$0x3FFC];
	_ =	sdelay $0x3  }
0x96: {  	_ =	strace s5  }
0x97: {  	s5 =	sld [smem:$0x3FFD];
	_ =	sdelay $0x3  }
0x98: {  	_ =	strace s5  }
0x99: {  	_ =	strace $0x8FFFFFFF  }
0x9a: {  	s20 =	sld [smem:$0x3FDB];
	_ =	sdelay $0x1  }
0x9b: {  	s6 =	simm.s32 $_scs_section_size  }
0x9c: {  	s7 =	simm.s32 $_size__tile_overlayer_lowered;
	s8 =	simm.s32 $_tile_overlayer_lowered  }
0x9d: {  	s23 =	simm.s32 $0x1BFF;
	s22 =	sshll.u32 s8, $0x1;
	s5 =	sadd.s32 s6, s20  }
0x9e: {  	s9 =	simm.s32 $0x0;
	s21 =	sshll.u32 s7, $0x1;
	s7 =	sadd.s32 s22, s5  }
0x9f: {  	[timem:s9], [sflag:s23] =	dma.local [hbm:s7], s21  }
0xa0: {  	_ =	swait.ge [sflag:s23], s21  }
0xa1: {  	s6 =	ssub.s32 $0x0, s21;
	[sflag:s23] =	ssyncset.done $0x0  }
0xa2: {  	[sflag:s23] =	ssyncadd.s32 s6;
	_ =	sdelay $0x1  }
0xa3: {  	s24 =	simm.s32 $0x1B8B  }
0xa4: {  	_ =	swait.ge [sflag:s24], $0x1  }
0xa5: {  	[sflag:s24] =	ssyncset.done $0x0  }
0xa6: {  	s25 =	simm.s32 $0x1B8E;
	[sflag:s24] =	ssyncadd.s32 $0xFFFFFFFF  }
0xa7: {  	s26 =	simm.s32 $execute0_lowered;
	[smem:$0x3FD2] =	sst s25  }
0xa8: {  	s6 =	sshll.u32 s26, $0x1;
	_ =	strace $0x80000046;
	[dreg:$0x1] =	wrdreg $0xFFFFFFFF  }
0xa9: {  	s28 =	simm.s32 $_size_execute0_lowered;
	s5 =	sadd.s32 s5, s6;
	[dreg:$0x0] =	wrdreg $0x0  }
0xaa: {  	s6 =	sshll.u32 s28, $0x1;
	[dreg:$0x2] =	wrdreg s5  }
0xab: {  	[dreg:$0x3] =	wrdreg s6  }
0xac: {  	[dreg:$0x4] =	wrdreg $0xC0  }
0xad: {  	_ =	task [dreg:s9], $0x5FFFF  }
0xae: {  	[dreg:$0x1] =	wrdreg $0xFFFFFFFF  }
0xaf: {  	[dreg:$0x0] =	wrdreg $0x60  }
0xb0: {  	[dreg:$0x2] =	wrdreg s2  }
0xb1: {  	[dreg:$0x3] =	wrdreg s19  }
0xb2: {  	[dreg:$0x4] =	wrdreg s4  }
0xb3: {  	[dreg:$0x5] =	wrdreg $0x9  }
0xb4: {  	_ =	task.clear_ibuf [dreg:s9], $0x6FFFF;
	_ =	strace $0x90000046  }
0xb5: {  	s29 =	simm.s32 $0x9;
	_ =	strace $0x80000048  }
0xb6: {  	_ =	swait.ge [sflag:s29], $0x1  }
0xb7: {  	[sflag:s29] =	ssyncadd.s32 $0xFFFFFFFF  }
0xb8: {  	_ =	strace $0x90000048  }
0xb9: {  	_ =	sfence  }
0xba: {  	s30 =	sld [smem:$0x0];
	_ =	sdelay $0x2  }
0xbb: {  	s31 =	sshll.u32 s1, $0xD;
	s1 =	sshrl.u32 s1, $0x2  }
0xbc: {  	s3 =	sand.u32 $0x4000, s31;
	s1 =	sadd.s32 s1, s30  }
0xbd: {  	s0 =	sor.u32 s3, s0;
	s1 =	sshll.u32 s1, $0x11  }
0xbe: {  	s0 =	sor.u32 s1, s0  }
0xbf: {  	s0 =	sadd.s32 $0x8F2B, s0  }
0xc0: {  	[sflag:s0] =	ssyncadd.remote.s32 $0x1  }
0xc1: {  	_ =	sfence.sel $0xFFFF  }
0xc2: {  	[dreg:$0x0] =	wrdreg $0xFFFFFFFF;
	(pc) =	sbr.abs _section_cstart, $3  }
0xc3: {  	[dreg:$0x1] =	wrdreg $0xFFFFFFFF  }
0xc4: {  	_ =	task.clear_ibuf [dreg:s9], $0x2FFFF;
	_ =	strace $0x9FFFFFFF  }
0xc5: {  	(tm) =	ssettm $0x7FFFFFFF  }
tec
execute0_lowered:
.L_overlay_start_1:
0x0: {  	(tag) =	ssettag $0x1  }
0x1: {  	s0 =	rddreg [dreg:$0x0]  }
0x2: {  	s1 =	rddreg [dreg:$0x1]  }
0x3: {  	s12 =	rddreg [dreg:$0x2];
	s2 =	srdreg.scid  }
0x4: {  	s17 =	stileid.u32;
	s22 =	simm.s32 $0xB400;
	s23 =	simm.s32 $0xB000  }
0x5: {  	s24 =	simm.s32 $0xD400;
	s25 =	simm.s32 $0xFC00;
	s26 =	simm.s32 $0xF800  }
0x6: {  	s31 =	simm.s32 $0x11C00;
	s13 =	sand.u32 $0x1, s2;
	s2 =	simm.s32 $0x0  }
0x7: {  	s28 =	simm.s32 $0x7;
	s29 =	simm.s32 $0x8;
	[smem:$0x7FF] =	sst s2  }
0x8: {  	s30 =	simm.s32 $0x0;
	_ =	strace $0x80000047;
	[dreg:$0x7] =	wrdreg s22  }
0x9: {  	s3 =	sshll.u32 s17, $0xA;
	s21 =	sshll.u32 s17, $0x11;
	[dreg:$0x8] =	wrdreg s23  }
0xa: {  	s17 =	simm.s32 $0x4800;
	s4 =	sshll.u32 s13, $0x9;
	[dreg:$0x9] =	wrdreg s24  }
0xb: {  	s5 =	ssub.s32 $0x2, s13;
	s13 =	sshll.u32 s13, $0x10;
	[dreg:$0xa] =	wrdreg s25  }
0xc: {  	s14 =	sor.u32 s4, s3;
	s15 =	sshrl.u32 s5, $0x1;
	[dreg:$0xb] =	wrdreg s26  }
0xd: {  	s22 =	simm.s32 $0x1;
	s23 =	simm.s32 $0xD800;
	[dreg:$0xc] =	wrdreg s31  }
0xe: {  	s24 =	simm.s32 $0x2;
	s25 =	simm.s32 $0x3;
	s26 =	simm.s32 $0x4  }
0xf: {  	s4 =	sand.u32 $0xE00, s14;
	s7 =	ssub.s32 s5, s15;
	s16 =	sshll.u32 s14, $0x7  }
0x10: {  	s8 =	sshrl.u32 s14, $0x3;
	s19 =	sshll.u32 s14, $0x4;
	s4 =	sshll.u32 s4, $0x4  }
0x11: {  	s3 =	sadd.s32 s0, s16;
	s15 =	smul.u32 $0x480, s8;
	s7 =	smax.u32 s7, $0x1  }
0x12: {  	s16 =	sor.u32 $0x20, s14;
	s14 =	sor.u32 $0x30, s14;
	s0 =	sadd.s32 s21, s0  }
0x13: {  	s21 =	simm.s32 $0x9000;
	s4 =	sadd.s32 s1, s4;
	s18 =	sadd.s32 $0x800, s3  }
0x14: {  	s8 =	sadd.s32 $0x400, s3;
	s10 =	sadd.s32 $0xC00, s3;
	s16 =	sshrl.u32 s16, $0x3  }
0x15: {  	s14 =	sshrl.u32 s14, $0x3;
	s0 =	sadd.s32 s13, s0;
	[dreg:$0xd] =	wrdreg s18  }
0x16: {  	s6 =	sadd.s32 $0x100, s4;
	s15 =	sadd.s32 s15, s12;
	s20 =	smul.u32 $0x480, s16  }
0x17: {  	s14 =	smul.u32 $0x480, s14;
	[dreg:$0x4] =	wrdreg s15;
	s15 =	sand.u32 $0xE000, s19  }
0x18: {  	s9 =	sadd.s32 $0x80, s4;
	s1 =	sadd.s32 s15, s1;
	s15 =	sadd.s32 s20, s12  }
0x19: {  	s11 =	sadd.s32 $0x180, s4;
	s12 =	sadd.s32 s14, s12;
	[dreg:$0x5] =	wrdreg s15  }
0x1a: {  	s13 =	sadd.s32 $0x2800, s0;
	s1 =	sadd.s32 $0x500, s1;
	[dreg:$0x6] =	wrdreg s12  }
.LBB2_1:
0x1b: {  	[tilespmem:s2], [sflag:$0x1] =	stream.linear.gather [hbm4b:s3+s2], $0x2000, $0x38;
	[tilespmem:$0x12000] =	vst v63  }
0x1c: {  	s0 =	simm.s32 $0x2400  }
0x1d: {  	[tilespmem:s0], [sflag:$0x1] =	stream.linear.gather [hbm4b:s8+s2], $0x2000, $0x38;
	[tilespmem:$0x12000] =	vst v63  }
0x1e: {  	s12 =	simm.s32 $0x2000  }
0x1f: {  	[tilespmem:s12], [sflag:$0x1] =	stream.linear.gather [hbm4b:s4+s2], $0x400, $0x38;
	[tilespmem:$0x12000] =	vst v63  }
0x20: {  	s14 =	simm.s32 $0x4400  }
0x21: {  	[tilespmem:s14], [sflag:$0x1] =	stream.linear.gather [hbm4b:s9+s2], $0x400, $0x38;
	[tilespmem:$0x12000] =	vst v63  }
0x22: {  	s15 =	rddreg [dreg:$0xd]  }
0x23: {  	[tilespmem:s17], [sflag:$0x2] =	stream.linear.gather [hbm4b:s15+s2], $0x2000, $0x38;
	[tilespmem:$0x12000] =	vst v63  }
0x24: {  	s16 =	simm.s32 $0x6C00  }
0x25: {  	[tilespmem:s16], [sflag:$0x2] =	stream.linear.gather [hbm4b:s10+s2], $0x2000, $0x38;
	[tilespmem:$0x12000] =	vst v63  }
0x26: {  	s18 =	simm.s32 $0x6800;
	p0 =	por $0x1, $0x1  }
0x27: {  	[tilespmem:s18], [sflag:$0x2] =	stream.linear.gather [hbm4b:s6+s2], $0x400, $0x38;
	[tilespmem:$0x12000] =	vst v63  }
0x28: {  	s19 =	simm.s32 $0x8C00;
	s0 =	simm.s32 @!p0 $0x7  }
0x29: {  	[tilespmem:s19], [sflag:$0x2] =	stream.linear.gather [hbm4b:s11+s2], $0x400, $0x38;
	[tilespmem:$0x12000] =	vst v63  }
0x2a: {  	_ =	swait.ge @!p0 [sflag:s0], $0x4800  }
0x2b: {  	[sflag:s0] =	ssyncset.done @!p0 $0x0  }
0x2c: {  	s12 =	sadd.s32 $0xFFFFE800, s13;
	[sflag:s0] =	ssyncadd.s32 @!p0 $0xFFFFB800  }
0x2d: {  	[tilespmem:s21], [sflag:$0x3] =	stream.linear.gather [hbm4b:s12+s2], $0x2000, $0x38;
	[tilespmem:$0x12000] =	vst v63  }
0x2e: {  	s20 =	sadd.s32 $0xFFFFEC00, s13;
	s14 =	rddreg [dreg:$0x7]  }
0x2f: {  	[tilespmem:s14], [sflag:$0x3] =	stream.linear.gather [hbm4b:s20+s2], $0x2000, $0x38;
	[tilespmem:$0x12000] =	vst v63  }
0x30: {  	s5 =	rddreg [dreg:$0x8];
	s14 =	sadd.s32 $0xFFFFFD00, s1  }
0x31: {  	[tilespmem:s5], [sflag:$0x3] =	stream.linear.gather [hbm4b:s14+s2], $0x400, $0x38;
	[tilespmem:$0x12000] =	vst v63  }
0x32: {  	s16 =	sadd.s32 $0xFFFFFD80, s1;
	s15 =	rddreg [dreg:$0x9]  }
0x33: {  	[tilespmem:s15], [sflag:$0x3] =	stream.linear.gather [hbm4b:s16+s2], $0x400, $0x38;
	[tilespmem:$0x12000] =	vst v63  }
0x34: {  	_ =	swait.ge [sflag:s22], $0x4000  }
0x35: {  	[sflag:s22] =	ssyncset.done $0x0  }
0x36: {  	[sflag:s22] =	ssyncadd.s32 $0xFFFFC000  }
0x37: {  	_ =	swait.ge [sflag:s22], $0x800  }
0x38: {  	s18 =	rddreg [dreg:$0x4];
	[sflag:s22] =	ssyncset.done $0x0  }
0x39: {  	s12 =	simm.s32 @!p0 $0x8;
	[sflag:s22] =	ssyncadd.s32 $0xFFFFF800;
	s0 =	sadd.s32 $0x0, s18  }
0x3a: {  	[hbm4b:s0+s2] =	stream.linear.scatter [tilespmem:s2], [sflag:$0x5], $0x4800, $0x38;
	[tilespmem:$0x12000] =	vst v63  }
0x3b: {  	_ =	swait.ge @!p0 [sflag:s12], $0x4800  }
0x3c: {  	[sflag:s12] =	ssyncset.done @!p0 $0x0  }
0x3d: {  	s19 =	sadd.s32 $0xFFFFF000, s13;
	[sflag:s12] =	ssyncadd.s32 @!p0 $0xFFFFB800  }
0x3e: {  	[tilespmem:s23], [sflag:$0x4] =	stream.linear.gather [hbm4b:s19+s2], $0x2000, $0x38;
	[tilespmem:$0x12000] =	vst v63  }
0x3f: {  	s20 =	sadd.s32 $0xFFFFF400, s13;
	s15 =	rddreg [dreg:$0xa]  }
0x40: {  	[tilespmem:s15], [sflag:$0x4] =	stream.linear.gather [hbm4b:s20+s2], $0x2000, $0x38;
	[tilespmem:$0x12000] =	vst v63  }
0x41: {  	s16 =	sadd.s32 $0xFFFFFE00, s1;
	s5 =	rddreg [dreg:$0xb]  }
0x42: {  	[tilespmem:s5], [sflag:$0x4] =	stream.linear.gather [hbm4b:s16+s2], $0x400, $0x38;
	[tilespmem:$0x12000] =	vst v63  }
0x43: {  	s18 =	rddreg [dreg:$0xc];
	s19 =	sadd.s32 $0xFFFFFE80, s1  }
0x44: {  	[tilespmem:s18], [sflag:$0x4] =	stream.linear.gather [hbm4b:s19+s2], $0x400, $0x38;
	[tilespmem:$0x12000] =	vst v63  }
0x45: {  	_ =	swait.ge [sflag:s24], $0x4000  }
0x46: {  	[sflag:s24] =	ssyncset.done $0x0  }
0x47: {  	[sflag:s24] =	ssyncadd.s32 $0xFFFFC000  }
0x48: {  	_ =	swait.ge [sflag:s24], $0x800  }
0x49: {  	p0 =	por $0x0, $0x0;
	[sflag:s24] =	ssyncset.done $0x0  }
0x4a: {  	s0 =	sadd.s32 $0x900, s0;
	s12 =	simm.s32 @!p0 $0x5;
	[sflag:s24] =	ssyncadd.s32 $0xFFFFF800  }
0x4b: {  	[hbm4b:s0+s2] =	stream.linear.scatter [tilespmem:s17], [sflag:$0x6], $0x4800, $0x38;
	[tilespmem:$0x12000] =	vst v63  }
0x4c: {  	_ =	swait.ge @!p0 [sflag:s12], $0x4800  }
0x4d: {  	[sflag:s12] =	ssyncset.done @!p0 $0x0  }
0x4e: {  	s14 =	simm.s32 @!p0 $0x0;
	s0 =	sadd.s32 @!p0 $0xFFFFF800, s13;
	[sflag:s12] =	ssyncadd.s32 @!p0 $0xFFFFB800  }
0x4f: {  	[tilespmem:s14], [sflag:$0x1] =	stream.linear.gather @!p0 [hbm4b:s0+s14], $0x2000, $0x38;
	[tilespmem:$0x12000] =	vst v63  }
0x50: {  	s12 =	simm.s32 @!p0 $0x2400;
	s0 =	sadd.s32 @!p0 $0xFFFFFC00, s13  }
0x51: {  	[tilespmem:s12], [sflag:$0x1] =	stream.linear.gather @!p0 [hbm4b:s0+s14], $0x2000, $0x38;
	[tilespmem:$0x12000] =	vst v63  }
0x52: {  	s0 =	sadd.s32 @!p0 $0xFFFFFF00, s1;
	s12 =	simm.s32 @!p0 $0x2000  }
0x53: {  	[tilespmem:s12], [sflag:$0x1] =	stream.linear.gather @!p0 [hbm4b:s0+s14], $0x400, $0x38;
	[tilespmem:$0x12000] =	vst v63  }
0x54: {  	s0 =	sadd.s32 @!p0 $0xFFFFFF80, s1;
	s12 =	simm.s32 @!p0 $0x4400  }
0x55: {  	[tilespmem:s12], [sflag:$0x1] =	stream.linear.gather @!p0 [hbm4b:s0+s14], $0x400, $0x38;
	[tilespmem:$0x12000] =	vst v63  }
0x56: {  	_ =	swait.ge [sflag:s25], $0x4000  }
0x57: {  	[sflag:s25] =	ssyncset.done $0x0  }
0x58: {  	[sflag:s25] =	ssyncadd.s32 $0xFFFFC000  }
0x59: {  	_ =	swait.ge [sflag:s25], $0x800  }
0x5a: {  	s20 =	rddreg [dreg:$0x5];
	[sflag:s25] =	ssyncset.done $0x0  }
0x5b: {  	s12 =	simm.s32 @!p0 $0x6;
	[sflag:s25] =	ssyncadd.s32 $0xFFFFF800;
	s0 =	sadd.s32 $0x0, s20  }
0x5c: {  	[hbm4b:s0+s2] =	stream.linear.scatter [tilespmem:s21], [sflag:$0x7], $0x4800, $0x38;
	[tilespmem:$0x12000] =	vst v63  }
0x5d: {  	_ =	swait.ge @!p0 [sflag:s12], $0x4800  }
0x5e: {  	[sflag:s12] =	ssyncset.done @!p0 $0x0  }
0x5f: {  	s0 =	simm.s32 @!p0 $0x4800;
	[sflag:s12] =	ssyncadd.s32 @!p0 $0xFFFFB800  }
0x60: {  	[tilespmem:s0], [sflag:$0x2] =	stream.linear.gather @!p0 [hbm4b:s13+s14], $0x2000, $0x38;
	[tilespmem:$0x12000] =	vst v63  }
0x61: {  	s12 =	simm.s32 @!p0 $0x6C00;
	s0 =	sadd.s32 @!p0 $0x400, s13  }
0x62: {  	[tilespmem:s12], [sflag:$0x2] =	stream.linear.gather @!p0 [hbm4b:s0+s14], $0x2000, $0x38;
	[tilespmem:$0x12000] =	vst v63  }
0x63: {  	s0 =	simm.s32 @!p0 $0x6800  }
0x64: {  	[tilespmem:s0], [sflag:$0x2] =	stream.linear.gather @!p0 [hbm4b:s1+s14], $0x400, $0x38;
	[tilespmem:$0x12000] =	vst v63  }
0x65: {  	s12 =	simm.s32 @!p0 $0x8C00;
	s0 =	sadd.s32 @!p0 $0x80, s1  }
0x66: {  	[tilespmem:s12], [sflag:$0x2] =	stream.linear.gather @!p0 [hbm4b:s0+s14], $0x400, $0x38;
	[tilespmem:$0x12000] =	vst v63  }
0x67: {  	_ =	swait.ge [sflag:s26], $0x4000  }
0x68: {  	[sflag:s26] =	ssyncset.done $0x0  }
0x69: {  	s31 =	simm.s32 $0x2400;
	[sflag:s26] =	ssyncadd.s32 $0xFFFFC000  }
0x6a: {  	p1 =	por $0x0, $0x0;
	s15 =	simm.s32 $0x0;
	_ =	swait.ge [sflag:s26], $0x800  }
0x6b: {  	s14 =	simm.s32 $0x4800;
	s0 =	sadd.s32 $0x2000, s13;
	[sflag:s26] =	ssyncset.done $0x0  }
0x6c: {  	s12 =	smov.u32 s1;
	s16 =	rddreg [dreg:$0x6];
	[sflag:s26] =	ssyncadd.s32 $0xFFFFF800  }
.LBB2_2:
0x6d: {  	s18 =	simm.s32 @!p1 $0x7;
	s16 =	sadd.s32 s15, s16  }
0x6e: {  	[hbm4b:s16+s2] =	stream.linear.scatter [tilespmem:s23], [sflag:$0x8], $0x4800, $0x38;
	[tilespmem:$0x12000] =	vst v63  }
0x6f: {  	_ =	swait.ge @!p1 [sflag:s18], $0x4800  }
0x70: {  	s19 =	smov.u32 s14;
	s15 =	smov.u32 s31;
	[sflag:s18] =	ssyncset.done @!p1 $0x0  }
0x71: {  	s31 =	smov.u32 s19;
	s19 =	sadd.s32 $0xFFFFE800, s0;
	[sflag:s18] =	ssyncadd.s32 @!p1 $0xFFFFB800  }
0x72: {  	[tilespmem:s21], [sflag:$0x3] =	stream.linear.gather [hbm4b:s19+s2], $0x2000, $0x38;
	[tilespmem:$0x12000] =	vst v63  }
0x73: {  	s12 =	sadd.s32 $0x400, s12;
	s5 =	sadd.s32 $0xFFFFEC00, s0;
	s20 =	rddreg [dreg:$0x7]  }
0x74: {  	[tilespmem:s20], [sflag:$0x3] =	stream.linear.gather [hbm4b:s5+s2], $0x2000, $0x38;
	[tilespmem:$0x12000] =	vst v63  }
0x75: {  	s18 =	rddreg [dreg:$0x8];
	s20 =	sadd.s32 $0xFFFFFD00, s12  }
0x76: {  	[tilespmem:s18], [sflag:$0x3] =	stream.linear.gather [hbm4b:s20+s2], $0x400, $0x38;
	[tilespmem:$0x12000] =	vst v63  }
0x77: {  	s5 =	rddreg [dreg:$0x9];
	s18 =	sadd.s32 $0xFFFFFD80, s12  }
0x78: {  	[tilespmem:s5], [sflag:$0x3] =	stream.linear.gather [hbm4b:s18+s2], $0x400, $0x38;
	[tilespmem:$0x12000] =	vst v63  }
0x79: {  	_ =	swait.ge [sflag:s22], $0x4000  }
0x7a: {  	[sflag:s22] =	ssyncset.done $0x0  }
0x7b: {  	[sflag:s22] =	ssyncadd.s32 $0xFFFFC000  }
0x7c: {  	_ =	swait.ge [sflag:s22], $0x800  }
0x7d: {  	s20 =	rddreg [dreg:$0x4];
	[sflag:s22] =	ssyncset.done $0x0  }
0x7e: {  	s18 =	simm.s32 @!p1 $0x8;
	[sflag:s22] =	ssyncadd.s32 $0xFFFFF800;
	s16 =	sadd.s32 s15, s20  }
0x7f: {  	[hbm4b:s16+s2] =	stream.linear.scatter [tilespmem:s2], [sflag:$0x5], $0x4800, $0x38;
	[tilespmem:$0x12000] =	vst v63  }
0x80: {  	_ =	swait.ge @!p1 [sflag:s18], $0x4800  }
0x81: {  	[sflag:s18] =	ssyncset.done @!p1 $0x0  }
0x82: {  	s5 =	sadd.s32 $0xFFFFF000, s0;
	[sflag:s18] =	ssyncadd.s32 @!p1 $0xFFFFB800  }
0x83: {  	[tilespmem:s23], [sflag:$0x4] =	stream.linear.gather [hbm4b:s5+s2], $0x2000, $0x38;
	[tilespmem:$0x12000] =	vst v63  }
0x84: {  	s20 =	rddreg [dreg:$0xa];
	s5 =	sadd.s32 $0xFFFFF400, s0  }
0x85: {  	[tilespmem:s20], [sflag:$0x4] =	stream.linear.gather [hbm4b:s5+s2], $0x2000, $0x38;
	[tilespmem:$0x12000] =	vst v63  }
0x86: {  	s19 =	rddreg [dreg:$0xb];
	s20 =	sadd.s32 $0xFFFFFE00, s12  }
0x87: {  	[tilespmem:s19], [sflag:$0x4] =	stream.linear.gather [hbm4b:s20+s2], $0x400, $0x38;
	[tilespmem:$0x12000] =	vst v63  }
0x88: {  	s5 =	rddreg [dreg:$0xc];
	s19 =	sadd.s32 $0xFFFFFE80, s12  }
0x89: {  	[tilespmem:s5], [sflag:$0x4] =	stream.linear.gather [hbm4b:s19+s2], $0x400, $0x38;
	[tilespmem:$0x12000] =	vst v63  }
0x8a: {  	_ =	swait.ge [sflag:s24], $0x4000  }
0x8b: {  	[sflag:s24] =	ssyncset.done $0x0  }
0x8c: {  	[sflag:s24] =	ssyncadd.s32 $0xFFFFC000  }
0x8d: {  	_ =	swait.ge [sflag:s24], $0x800  }
0x8e: {  	p1 =	seq.s32 s15, $0xFC00;
	[sflag:s24] =	ssyncset.done $0x0  }
0x8f: {  	s16 =	sadd.s32 $0x900, s16;
	s18 =	simm.s32 @!p1 $0x5;
	[sflag:s24] =	ssyncadd.s32 $0xFFFFF800  }
0x90: {  	[hbm4b:s16+s2] =	stream.linear.scatter [tilespmem:s17], [sflag:$0x6], $0x4800, $0x38;
	[tilespmem:$0x12000] =	vst v63  }
0x91: {  	_ =	swait.ge @!p1 [sflag:s18], $0x4800  }
0x92: {  	[sflag:s18] =	ssyncset.done @!p1 $0x0  }
0x93: {  	s19 =	simm.s32 @!p1 $0x0;
	s16 =	sadd.s32 @!p1 $0xFFFFF800, s0;
	[sflag:s18] =	ssyncadd.s32 @!p1 $0xFFFFB800  }
0x94: {  	[tilespmem:s19], [sflag:$0x1] =	stream.linear.gather @!p1 [hbm4b:s16+s19], $0x2000, $0x38;
	[tilespmem:$0x12000] =	vst v63  }
0x95: {  	s20 =	simm.s32 @!p1 $0x2400;
	s18 =	sadd.s32 @!p1 $0xFFFFFC00, s0  }
0x96: {  	[tilespmem:s20], [sflag:$0x1] =	stream.linear.gather @!p1 [hbm4b:s18+s19], $0x2000, $0x38;
	[tilespmem:$0x12000] =	vst v63  }
0x97: {  	s5 =	simm.s32 @!p1 $0x2000;
	s16 =	sadd.s32 @!p1 $0xFFFFFF00, s12  }
0x98: {  	[tilespmem:s5], [sflag:$0x1] =	stream.linear.gather @!p1 [hbm4b:s16+s19], $0x400, $0x38;
	[tilespmem:$0x12000] =	vst v63  }
0x99: {  	s18 =	sadd.s32 @!p1 $0xFFFFFF80, s12;
	s20 =	simm.s32 @!p1 $0x4400  }
0x9a: {  	[tilespmem:s20], [sflag:$0x1] =	stream.linear.gather @!p1 [hbm4b:s18+s19], $0x400, $0x38;
	[tilespmem:$0x12000] =	vst v63  }
0x9b: {  	_ =	swait.ge [sflag:s25], $0x4000  }
0x9c: {  	[sflag:s25] =	ssyncset.done $0x0  }
0x9d: {  	[sflag:s25] =	ssyncadd.s32 $0xFFFFC000  }
0x9e: {  	_ =	swait.ge [sflag:s25], $0x800  }
0x9f: {  	s20 =	rddreg [dreg:$0x5];
	[sflag:s25] =	ssyncset.done $0x0  }
0xa0: {  	s16 =	simm.s32 @!p1 $0x6;
	[sflag:s25] =	ssyncadd.s32 $0xFFFFF800;
	s5 =	sadd.s32 s15, s20  }
0xa1: {  	[hbm4b:s5+s2] =	stream.linear.scatter [tilespmem:s21], [sflag:$0x7], $0x4800, $0x38;
	[tilespmem:$0x12000] =	vst v63  }
0xa2: {  	_ =	swait.ge @!p1 [sflag:s16], $0x4800  }
0xa3: {  	[sflag:s16] =	ssyncset.done @!p1 $0x0  }
0xa4: {  	s5 =	simm.s32 @!p1 $0x4800;
	[sflag:s16] =	ssyncadd.s32 @!p1 $0xFFFFB800  }
0xa5: {  	[tilespmem:s5], [sflag:$0x2] =	stream.linear.gather @!p1 [hbm4b:s0+s19], $0x2000, $0x38;
	[tilespmem:$0x12000] =	vst v63  }
0xa6: {  	s18 =	simm.s32 @!p1 $0x6C00;
	s16 =	sadd.s32 @!p1 $0x400, s0  }
0xa7: {  	[tilespmem:s18], [sflag:$0x2] =	stream.linear.gather @!p1 [hbm4b:s16+s19], $0x2000, $0x38;
	[tilespmem:$0x12000] =	vst v63  }
0xa8: {  	s5 =	simm.s32 @!p1 $0x6800  }
0xa9: {  	[tilespmem:s5], [sflag:$0x2] =	stream.linear.gather @!p1 [hbm4b:s12+s19], $0x400, $0x38;
	[tilespmem:$0x12000] =	vst v63  }
0xaa: {  	s14 =	sadd.s32 $0x2400, s14;
	s16 =	sadd.s32 @!p1 $0x80, s12;
	s18 =	simm.s32 @!p1 $0x8C00  }
0xab: {  	[tilespmem:s18], [sflag:$0x2] =	stream.linear.gather @!p1 [hbm4b:s16+s19], $0x400, $0x38;
	[tilespmem:$0x12000] =	vst v63  }
0xac: {  	p0 =	sne.s32 s14, $0x12000;
	_ =	swait.ge [sflag:s26], $0x4000  }
.Ltmp0:
0xad: {  	[sflag:s26] =	ssyncset.done $0x0;
	(pc) =	sbr.rel @p0 .LBB2_2-.Ltmp0, $4  }
0xae: {  	[sflag:s26] =	ssyncadd.s32 $0xFFFFC000  }
0xaf: {  	_ =	swait.ge [sflag:s26], $0x800  }
0xb0: {  	s0 =	sadd.s32 $0x2000, s0;
	[sflag:s26] =	ssyncset.done $0x0  }
0xb1: {  	p1 =	seq.s32 s31, $0x0;
	s16 =	rddreg [dreg:$0x6];
	[sflag:s26] =	ssyncadd.s32 $0xFFFFF800  }
0xb2: {  	s5 =	simm.s32 @!p1 $0x7;
	s14 =	sadd.s32 s15, s16  }
0xb3: {  	[hbm4b:s14+s2] =	stream.linear.scatter [tilespmem:s23], [sflag:$0x8], $0x4800, $0x38;
	[tilespmem:$0x12000] =	vst v63  }
0xb4: {  	_ =	swait.ge @!p1 [sflag:s5], $0x4800  }
0xb5: {  	[sflag:s5] =	ssyncset.done @!p1 $0x0  }
0xb6: {  	s19 =	sadd.s32 $0xFFFFE800, s0;
	[sflag:s5] =	ssyncadd.s32 @!p1 $0xFFFFB800  }
0xb7: {  	[tilespmem:s21], [sflag:$0x3] =	stream.linear.gather [hbm4b:s19+s2], $0x2000, $0x38;
	[tilespmem:$0x12000] =	vst v63  }
0xb8: {  	s12 =	sadd.s32 $0x400, s12;
	s16 =	sadd.s32 $0xFFFFEC00, s0;
	s20 =	rddreg [dreg:$0x7]  }
0xb9: {  	[tilespmem:s20], [sflag:$0x3] =	stream.linear.gather [hbm4b:s16+s2], $0x2000, $0x38;
	[tilespmem:$0x12000] =	vst v63  }
0xba: {  	s18 =	rddreg [dreg:$0x8];
	s19 =	sadd.s32 $0xFFFFFD00, s12  }
0xbb: {  	[tilespmem:s18], [sflag:$0x3] =	stream.linear.gather [hbm4b:s19+s2], $0x400, $0x38;
	[tilespmem:$0x12000] =	vst v63  }
0xbc: {  	s20 =	rddreg [dreg:$0x9];
	s16 =	sadd.s32 $0xFFFFFD80, s12  }
0xbd: {  	[tilespmem:s20], [sflag:$0x3] =	stream.linear.gather [hbm4b:s16+s2], $0x400, $0x38;
	[tilespmem:$0x12000] =	vst v63  }
0xbe: {  	_ =	swait.ge [sflag:s22], $0x4000  }
0xbf: {  	[sflag:s22] =	ssyncset.done $0x0  }
0xc0: {  	[sflag:s22] =	ssyncadd.s32 $0xFFFFC000  }
0xc1: {  	_ =	swait.ge [sflag:s22], $0x800  }
0xc2: {  	s18 =	rddreg [dreg:$0x4];
	[sflag:s22] =	ssyncset.done $0x0  }
0xc3: {  	s14 =	simm.s32 @!p1 $0x8;
	[sflag:s22] =	ssyncadd.s32 $0xFFFFF800;
	s5 =	sadd.s32 s31, s18  }
0xc4: {  	[hbm4b:s5+s2] =	stream.linear.scatter [tilespmem:s2], [sflag:$0x5], $0x4800, $0x38;
	[tilespmem:$0x12000] =	vst v63  }
0xc5: {  	_ =	swait.ge @!p1 [sflag:s14], $0x4800  }
0xc6: {  	[sflag:s14] =	ssyncset.done @!p1 $0x0  }
0xc7: {  	s19 =	sadd.s32 $0xFFFFF000, s0;
	[sflag:s14] =	ssyncadd.s32 @!p1 $0xFFFFB800  }
0xc8: {  	[tilespmem:s23], [sflag:$0x4] =	stream.linear.gather [hbm4b:s19+s2], $0x2000, $0x38;
	[tilespmem:$0x12000] =	vst v63  }
0xc9: {  	s15 =	sadd.s32 $0xFFFFF400, s0;
	s20 =	rddreg [dreg:$0xa]  }
0xca: {  	[tilespmem:s20], [sflag:$0x4] =	stream.linear.gather [hbm4b:s15+s2], $0x2000, $0x38;
	[tilespmem:$0x12000] =	vst v63  }
0xcb: {  	s18 =	rddreg [dreg:$0xb];
	s19 =	sadd.s32 $0xFFFFFE00, s12  }
0xcc: {  	[tilespmem:s18], [sflag:$0x4] =	stream.linear.gather [hbm4b:s19+s2], $0x400, $0x38;
	[tilespmem:$0x12000] =	vst v63  }
0xcd: {  	s20 =	rddreg [dreg:$0xc];
	s18 =	sadd.s32 $0xFFFFFE80, s12  }
0xce: {  	[tilespmem:s20], [sflag:$0x4] =	stream.linear.gather [hbm4b:s18+s2], $0x400, $0x38;
	[tilespmem:$0x12000] =	vst v63  }
0xcf: {  	_ =	swait.ge [sflag:s24], $0x4000  }
0xd0: {  	[sflag:s24] =	ssyncset.done $0x0  }
0xd1: {  	[sflag:s24] =	ssyncadd.s32 $0xFFFFC000  }
0xd2: {  	_ =	swait.ge [sflag:s24], $0x800  }
0xd3: {  	p0 =	seq.s32 s31, $0xFC00;
	[sflag:s24] =	ssyncset.done $0x0  }
0xd4: {  	s5 =	sadd.s32 $0x900, s5;
	s14 =	simm.s32 @!p0 $0x5;
	[sflag:s24] =	ssyncadd.s32 $0xFFFFF800  }
0xd5: {  	[hbm4b:s5+s2] =	stream.linear.scatter [tilespmem:s17], [sflag:$0x6], $0x4800, $0x38;
	[tilespmem:$0x12000] =	vst v63  }
0xd6: {  	_ =	swait.ge @!p0 [sflag:s14], $0x4800  }
0xd7: {  	[sflag:s14] =	ssyncset.done @!p0 $0x0  }
0xd8: {  	s15 =	simm.s32 @!p0 $0x0;
	s5 =	sadd.s32 @!p0 $0xFFFFF800, s0;
	[sflag:s14] =	ssyncadd.s32 @!p0 $0xFFFFB800  }
0xd9: {  	[tilespmem:s15], [sflag:$0x1] =	stream.linear.gather @!p0 [hbm4b:s5+s15], $0x2000, $0x38;
	[tilespmem:$0x12000] =	vst v63  }
0xda: {  	s14 =	simm.s32 @!p0 $0x2400;
	s5 =	sadd.s32 @!p0 $0xFFFFFC00, s0  }
0xdb: {  	[tilespmem:s14], [sflag:$0x1] =	stream.linear.gather @!p0 [hbm4b:s5+s15], $0x2000, $0x38;
	[tilespmem:$0x12000] =	vst v63  }
0xdc: {  	s5 =	sadd.s32 @!p0 $0xFFFFFF00, s12;
	s14 =	simm.s32 @!p0 $0x2000  }
0xdd: {  	[tilespmem:s14], [sflag:$0x1] =	stream.linear.gather @!p0 [hbm4b:s5+s15], $0x400, $0x38;
	[tilespmem:$0x12000] =	vst v63  }
0xde: {  	s5 =	sadd.s32 @!p0 $0xFFFFFF80, s12;
	s14 =	simm.s32 @!p0 $0x4400  }
0xdf: {  	[tilespmem:s14], [sflag:$0x1] =	stream.linear.gather @!p0 [hbm4b:s5+s15], $0x400, $0x38;
	[tilespmem:$0x12000] =	vst v63  }
0xe0: {  	_ =	swait.ge [sflag:s25], $0x4000  }
0xe1: {  	[sflag:s25] =	ssyncset.done $0x0  }
0xe2: {  	[sflag:s25] =	ssyncadd.s32 $0xFFFFC000  }
0xe3: {  	_ =	swait.ge [sflag:s25], $0x800  }
0xe4: {  	s19 =	rddreg [dreg:$0x5];
	[sflag:s25] =	ssyncset.done $0x0  }
0xe5: {  	s14 =	simm.s32 @!p0 $0x6;
	[sflag:s25] =	ssyncadd.s32 $0xFFFFF800;
	s5 =	sadd.s32 s31, s19  }
0xe6: {  	[hbm4b:s5+s2] =	stream.linear.scatter [tilespmem:s21], [sflag:$0x7], $0x4800, $0x38;
	[tilespmem:$0x12000] =	vst v63  }
0xe7: {  	_ =	swait.ge @!p0 [sflag:s14], $0x4800  }
0xe8: {  	[sflag:s14] =	ssyncset.done @!p0 $0x0  }
0xe9: {  	s5 =	simm.s32 @!p0 $0x4800;
	[sflag:s14] =	ssyncadd.s32 @!p0 $0xFFFFB800  }
0xea: {  	[tilespmem:s5], [sflag:$0x2] =	stream.linear.gather @!p0 [hbm4b:s0+s15], $0x2000, $0x38;
	[tilespmem:$0x12000] =	vst v63  }
0xeb: {  	s0 =	sadd.s32 @!p0 $0x400, s0;
	s5 =	simm.s32 @!p0 $0x6C00  }
0xec: {  	[tilespmem:s5], [sflag:$0x2] =	stream.linear.gather @!p0 [hbm4b:s0+s15], $0x2000, $0x38;
	[tilespmem:$0x12000] =	vst v63  }
0xed: {  	s0 =	simm.s32 @!p0 $0x6800  }
0xee: {  	[tilespmem:s0], [sflag:$0x2] =	stream.linear.gather @!p0 [hbm4b:s12+s15], $0x400, $0x38;
	[tilespmem:$0x12000] =	vst v63  }
0xef: {  	s5 =	simm.s32 @!p0 $0x8C00;
	s0 =	sadd.s32 @!p0 $0x80, s12  }
0xf0: {  	[tilespmem:s5], [sflag:$0x2] =	stream.linear.gather @!p0 [hbm4b:s0+s15], $0x400, $0x38;
	[tilespmem:$0x12000] =	vst v63  }
0xf1: {  	_ =	swait.ge [sflag:s26], $0x4000  }
0xf2: {  	[sflag:s26] =	ssyncset.done $0x0  }
0xf3: {  	[sflag:s26] =	ssyncadd.s32 $0xFFFFC000  }
0xf4: {  	_ =	swait.ge [sflag:s26], $0x800  }
0xf5: {  	s20 =	rddreg [dreg:$0x6];
	[sflag:s26] =	ssyncset.done $0x0  }
0xf6: {  	s30 =	sadd.s32 $0x1, s30;
	[sflag:s26] =	ssyncadd.s32 $0xFFFFF800;
	s0 =	sadd.s32 s31, s20  }
0xf7: {  	[hbm4b:s0+s2] =	stream.linear.scatter [tilespmem:s23], [sflag:$0x8], $0x4800, $0x38;
	[tilespmem:$0x12000] =	vst v63  }
0xf8: {  	p0 =	sne.s32 s30, s7;
	_ =	swait.ge [sflag:s28], $0x4800  }
.Ltmp1:
0xf9: {  	[sflag:s28] =	ssyncset.done $0x0;
	(pc) =	sbr.rel @p0 .LBB2_1-.Ltmp1, $4  }
0xfa: {  	[sflag:s28] =	ssyncadd.s32 $0xFFFFB800  }
0xfb: {  	_ =	swait.ge [sflag:s29], $0x4800  }
0xfc: {  	[sflag:s29] =	ssyncset.done $0x0  }
0xfd: {  	[sflag:s29] =	ssyncadd.s32 $0xFFFFB800  }
0xfe: {  	_ =	sfence.sel $0x180000  }
0xff: {  	[bflag:$0x0] =	sbarrier.arrive $0xFFFF  }
0x100: {  	_ =	strace $0x90000047  }
0x101: {  	s0 =	stileid.u32;
	[bflag:$0x2] =	sbarrier.arrive $0xFFFF  }
0x102: {  	p0 =	sne.s32 s0, $0x0;
	s0 =	rddreg [dreg:$0x3]  }
0x103: {  	s0 =	sadd.s32 @!p0 $0x100000, s0  }
0x104: {  	[sflag:s0] =	ssyncadd.tile.s32 @!p0 $0x1;
	_ =	shalt  }
.Lfunc_end2:
_tile_overlayer_lowered:
.L_overlay_start_2:
0x105: {  	(tag) =	ssettag $0x2  }
0x106: {  	s0 =	rddreg [dreg:$0x0];
	s2 =	stileid.u32  }
0x107: {  	s1 =	rddreg [dreg:$0x1];
	p0 =	sne.s32 s2, $0x0  }
0x108: {  	s3 =	rddreg [dreg:$0x2];
	[bflag:$0x3] =	sbarrier.arrive $0xFFFF;
	s2 =	simm.s32 @!p0 $0x1C09  }
0x109: {  	[timem:s3], [sflag:s2] =	dma.local @!p0 [hbm:s0], s1  }
0x10a: {  	s0 =	simm.s32 @!p0 $0x9  }
0x10b: {  	_ =	swait.ge @!p0 [sflag:s0], s1  }
0x10c: {  	s1 =	ssub.s32 @!p0 $0x0, s1;
	[sflag:s0] =	ssyncset.done @!p0 $0x0  }
0x10d: {  	[sflag:s0] =	ssyncadd.s32 @!p0 s1  }
0x10e: {  	[bflag:$0x3] =	sbarrier.arrive $0xFFFF  }
0x10f: {  	_ =	shalt  }

</sc_bundles>
